<compile_context>
chip_gen: v7x
topology: tpu7x:2x2x1
jax: 0.10.2.dev20260603
libtpu: 0.0.44.dev20260713+nightly
codegen_flags: <defaults>
</compile_context>

<pallas_src>
import functools
import jax
import jax.numpy as jnp
from jax import lax
from jax.experimental import pallas as pl
from jax.experimental.pallas import tpu as pltpu
from jax.experimental.pallas import tpu_sc as plsc

_EMBED = 64
_WINDOW = 200
_BATCH = 1024
_NW = 32
_SPW = _BATCH // _NW
_CHUNK = _WINDOW
_NBUF = 4
_OUTER = _SPW // _NBUF
_SCALE = 8.0


def _body(idx_hbm, table_hbm, pos_hbm, out_hbm,
          idx_v, pos_v, b0, b1, b2, b3,
          g0, g1, g2, g3, o0, o1, o2, o3):
    bufs = [b0, b1, b2, b3]
    gsems = [g0, g1, g2, g3]
    osems = [o0, o1, o2, o3]
    wid = lax.axis_index("s") * 2 + lax.axis_index("c")
    seq0 = wid * _SPW

    pltpu.sync_copy(idx_hbm.at[pl.ds(seq0, _SPW)], idx_v)
    pltpu.sync_copy(pos_hbm, pos_v)

    def gather_start(c, j):
        pltpu.make_async_copy(
            table_hbm.at[idx_v.at[c]], bufs[j], gsems[j]).start()

    def gather_wait(j):
        pltpu.make_async_copy(
            table_hbm.at[idx_v.at[0]], bufs[j], gsems[j]).wait()

    def scatter_start(c, j):
        pltpu.make_async_copy(
            bufs[j], out_hbm.at[seq0 + c], osems[j]).start()

    def scatter_wait(j):
        pltpu.make_async_copy(
            bufs[j], out_hbm.at[0], osems[j]).wait()

    gather_start(0, 0)
    gather_start(1, 1)

    def compute(j):
        buf = bufs[j]

        def row(r, carry):
            for q in range(_EMBED // 16):
                sl = (r, pl.ds(q * 16, 16))
                buf[sl] = buf[sl] * _SCALE + pos_v[sl]
            return carry

        lax.fori_loop(0, _CHUNK, row, 0)

    def outer(i, carry):
        for j in range(_NBUF):
            c = i * _NBUF + j
            gather_wait(j)
            compute(j)
            scatter_start(c, j)
            jn = (j + 2) % _NBUF
            if j < 2:
                @pl.when(i >= 1)
                def _():
                    scatter_wait(jn)
                gather_start(c + 2, jn)
            else:
                @pl.when(i < _OUTER - 1)
                def _():
                    scatter_wait(jn)
                    gather_start(c + 2, jn)
        return carry

    lax.fori_loop(0, _OUTER, outer, 0)
    for j in range(_NBUF):
        scatter_wait(j)


_sc_call = functools.partial(
    pl.kernel,
    mesh=plsc.VectorSubcoreMesh(core_axis_name="c", subcore_axis_name="s"),
    out_type=jax.ShapeDtypeStruct((_BATCH, _WINDOW, _EMBED), jnp.float32),
    scratch_types=[
        pltpu.VMEM((_SPW, _WINDOW), jnp.int32),
        pltpu.VMEM((_WINDOW, _EMBED), jnp.float32),
        pltpu.VMEM((_CHUNK, _EMBED), jnp.float32),
        pltpu.VMEM((_CHUNK, _EMBED), jnp.float32),
        pltpu.VMEM((_CHUNK, _EMBED), jnp.float32),
        pltpu.VMEM((_CHUNK, _EMBED), jnp.float32),
        pltpu.SemaphoreType.DMA,
        pltpu.SemaphoreType.DMA,
        pltpu.SemaphoreType.DMA,
        pltpu.SemaphoreType.DMA,
        pltpu.SemaphoreType.DMA,
        pltpu.SemaphoreType.DMA,
        pltpu.SemaphoreType.DMA,
        pltpu.SemaphoreType.DMA,
    ],
    compiler_params=pltpu.CompilerParams(use_tc_tiling_on_sc=False),
)(_body)


def kernel(x, table, pos_enc):
    return _sc_call(x.astype(jnp.int32), table, pos_enc)

# --- scband reference (transcript-rebuilt; emitter-appended) ---
"""Pipeline reference for scband-positional-encoding-3341484556304 (READ-ONLY COPY).

The authoritative reference and input builder live on the scoring server;
editing this copy changes nothing except your own understanding.
"""

import jax, jax.numpy as jnp
import numpy as np

VOCAB = 1000000
EMBED = 64
WINDOW = 200
BATCH = 1024

def positional_encoding(length, depth):
    depth = depth / 2
    positions = np.arange(length)[:, np.newaxis]
    depths = np.arange(depth)[np.newaxis, :] / depth
    angle_rates = 1 / 10000 ** depths
    angle_rads = positions * angle_rates
    pos_encoding = np.concatenate([np.sin(angle_rads), np.cos(angle_rads)], axis=-1)
    return jnp.asarray(pos_encoding, dtype=jnp.float32)


def setup_inputs(seed: int = 0) -> dict:
    key = jax.random.key(seed)
    k1, k2 = jax.random.split(key)
    x = jax.random.randint(k1, (BATCH, WINDOW), 0, VOCAB, dtype=jnp.int64 if jax.config.read('jax_enable_x64') else jnp.int32)
    table = jax.random.normal(k2, (VOCAB, EMBED), dtype=jnp.float32) * 0.02
    pos_enc = positional_encoding(WINDOW, EMBED)
    return {"x": x, "table": table, "pos_enc": pos_enc}


def reference(x, table, pos_enc):
    # embedding lookup: table[x] -> [B, W, EMBED]
    emb = jnp.take(table, x, axis=0)
    emb = emb * jnp.sqrt(jnp.asarray(EMBED, dtype=jnp.float32))
    out = emb + pos_enc  # pos_enc broadcasts over batch: [W, EMBED]
    return out

if __name__ == "__main__":
    import jax
    _d = setup_inputs()
    print(jax.jit(kernel)(*tuple(_d.values())))

</pallas_src>

<mosaic_0001>
#map = affine_map<(d0, d1) -> (0, 0)>
#map1 = affine_map<(d0, d1) -> (0, 0, 0)>
module attributes {stable_mosaic.version = 14 : i64} {
  func.func @_body(%arg0: i32, %arg1: i32, %arg2: memref<1024x200xi32, #tpu.memory_space<hbm>>, %arg3: memref<1000000x64xf32, #tpu.memory_space<hbm>>, %arg4: memref<200x64xf32, #tpu.memory_space<hbm>>, %arg5: memref<1024x200x64xf32, #tpu.memory_space<hbm>>, %arg6: memref<32x200xi32, #tpu.memory_space<vmem>>, %arg7: memref<200x64xf32, #tpu.memory_space<vmem>>, %arg8: memref<200x64xf32, #tpu.memory_space<vmem>>, %arg9: memref<200x64xf32, #tpu.memory_space<vmem>>, %arg10: memref<200x64xf32, #tpu.memory_space<vmem>>, %arg11: memref<200x64xf32, #tpu.memory_space<vmem>>, %arg12: memref<!tpu.dma_semaphore, #tpu.memory_space<semaphore_mem>>, %arg13: memref<!tpu.dma_semaphore, #tpu.memory_space<semaphore_mem>>, %arg14: memref<!tpu.dma_semaphore, #tpu.memory_space<semaphore_mem>>, %arg15: memref<!tpu.dma_semaphore, #tpu.memory_space<semaphore_mem>>, %arg16: memref<!tpu.dma_semaphore, #tpu.memory_space<semaphore_mem>>, %arg17: memref<!tpu.dma_semaphore, #tpu.memory_space<semaphore_mem>>, %arg18: memref<!tpu.dma_semaphore, #tpu.memory_space<semaphore_mem>>, %arg19: memref<!tpu.dma_semaphore, #tpu.memory_space<semaphore_mem>>) attributes {dimension_semantics = [#tpu.dimension_semantics<core_parallel>, #tpu.dimension_semantics<subcore_parallel>], iteration_bounds = array<i64: 2, 16>, scalar_prefetch = 0 : i64, scratch_operands = 14 : i64, tpu.core_type = #tpu.core_type<sc_vector_subcore>, window_params = [{transform_indices = #map}, {transform_indices = #map}, {transform_indices = #map}, {transform_indices = #map1}]} {
    %mul3A = arith.constant 2 : i32
    %mul3A_0 = arith.muli %arg1, %mul3A : i32
    %add3A = arith.addi %mul3A_0, %arg0 : i32
    %mul3A_1 = arith.constant 32 : i32
    %mul3A_2 = arith.muli %add3A, %mul3A_1 : i32
    "tpu.region"() ({
      %run_scoped3A = tpu.sem_alloc : memref<!tpu.dma_semaphore, #tpu.memory_space<semaphore_mem>>
      %dma_start3A_56 = arith.constant 0 : i32
      %dma_start3A_57 = tpu.memref_slice %arg2[%mul3A_2, %dma_start3A_56] : memref<1024x200xi32, #tpu.memory_space<hbm>> -> memref<32x200xi32, #tpu.memory_space<hbm>>
      %dma_start3A_58 = arith.constant 0 : i32
      %dma_start3A_59 = tpu.memref_slice %arg2[%mul3A_2, %dma_start3A_58] : memref<1024x200xi32, #tpu.memory_space<hbm>> -> memref<32x200xi32, #tpu.memory_space<hbm>>
      tpu.enqueue_dma source(%dma_start3A_59 : memref<32x200xi32, #tpu.memory_space<hbm>>) target(%arg6 : memref<32x200xi32, #tpu.memory_space<vmem>>) target_semaphore(%run_scoped3A : memref<!tpu.dma_semaphore, #tpu.memory_space<semaphore_mem>>)
      %dma_wait3A_60 = arith.constant 0 : i32
      %dma_wait3A_61 = tpu.memref_slice %arg2[%mul3A_2, %dma_wait3A_60] : memref<1024x200xi32, #tpu.memory_space<hbm>> -> memref<32x200xi32, #tpu.memory_space<hbm>>
      %dma_wait3A_62 = arith.constant 0 : i32
      %dma_wait3A_63 = tpu.memref_slice %arg2[%mul3A_2, %dma_wait3A_62] : memref<1024x200xi32, #tpu.memory_space<hbm>> -> memref<32x200xi32, #tpu.memory_space<hbm>>
      tpu.wait_dma2 semaphore(%run_scoped3A : memref<!tpu.dma_semaphore, #tpu.memory_space<semaphore_mem>>) src(%dma_wait3A_63 : memref<32x200xi32, #tpu.memory_space<hbm>>) dst(%arg6 : memref<32x200xi32, #tpu.memory_space<vmem>>)
      tpu.yield
    }) : () -> ()
    "tpu.region"() ({
      %run_scoped3A = tpu.sem_alloc : memref<!tpu.dma_semaphore, #tpu.memory_space<semaphore_mem>>
      tpu.enqueue_dma source(%arg4 : memref<200x64xf32, #tpu.memory_space<hbm>>) target(%arg7 : memref<200x64xf32, #tpu.memory_space<vmem>>) target_semaphore(%run_scoped3A : memref<!tpu.dma_semaphore, #tpu.memory_space<semaphore_mem>>)
      tpu.wait_dma2 semaphore(%run_scoped3A : memref<!tpu.dma_semaphore, #tpu.memory_space<semaphore_mem>>) src(%arg4 : memref<200x64xf32, #tpu.memory_space<hbm>>) dst(%arg7 : memref<200x64xf32, #tpu.memory_space<vmem>>)
      tpu.yield
    }) : () -> ()
    %dma_start3A = arith.constant 0 : i32
    %dma_start3A_3 = arith.constant 0 : i32
    %dma_start3A_4 = tpu.memref_slice %arg6[%dma_start3A, %dma_start3A_3] : memref<32x200xi32, #tpu.memory_space<vmem>> -> memref<1x200xi32, #tpu.memory_space<vmem>>
    %dma_start3A_5 = tpu.memref_squeeze %dma_start3A_4 : memref<1x200xi32, #tpu.memory_space<vmem>> -> memref<200xi32, #tpu.memory_space<vmem>>
    %dma_start3A_6 = arith.constant 0 : i32
    %dma_start3A_7 = arith.constant 0 : i32
    %dma_start3A_8 = tpu.memref_slice %arg3[%dma_start3A_6, %dma_start3A_7] : memref<1000000x64xf32, #tpu.memory_space<hbm>> -> memref<1000000x64xf32, #tpu.memory_space<hbm>>
    tpu.enqueue_indirect_dma source(%dma_start3A_8 : memref<1000000x64xf32, #tpu.memory_space<hbm>>) target(%arg8 : memref<200x64xf32, #tpu.memory_space<vmem>>) offsets(%dma_start3A_5 : memref<200xi32, #tpu.memory_space<vmem>>) semaphore(%arg12 : memref<!tpu.dma_semaphore, #tpu.memory_space<semaphore_mem>>)
    %dma_start3A_9 = arith.constant 1 : i32
    %dma_start3A_10 = arith.constant 0 : i32
    %dma_start3A_11 = tpu.memref_slice %arg6[%dma_start3A_9, %dma_start3A_10] : memref<32x200xi32, #tpu.memory_space<vmem>> -> memref<1x200xi32, #tpu.memory_space<vmem>>
    %dma_start3A_12 = tpu.memref_squeeze %dma_start3A_11 : memref<1x200xi32, #tpu.memory_space<vmem>> -> memref<200xi32, #tpu.memory_space<vmem>>
    %dma_start3A_13 = arith.constant 0 : i32
    %dma_start3A_14 = arith.constant 0 : i32
    %dma_start3A_15 = tpu.memref_slice %arg3[%dma_start3A_13, %dma_start3A_14] : memref<1000000x64xf32, #tpu.memory_space<hbm>> -> memref<1000000x64xf32, #tpu.memory_space<hbm>>
    tpu.enqueue_indirect_dma source(%dma_start3A_15 : memref<1000000x64xf32, #tpu.memory_space<hbm>>) target(%arg9 : memref<200x64xf32, #tpu.memory_space<vmem>>) offsets(%dma_start3A_12 : memref<200xi32, #tpu.memory_space<vmem>>) semaphore(%arg13 : memref<!tpu.dma_semaphore, #tpu.memory_space<semaphore_mem>>)
    %scan3A = arith.constant 0 : i32
    %scan3A_16 = arith.constant 0 : i32
    %scan3A_17 = arith.constant 8 : i32
    %scan3A_18 = arith.addi %scan3A_16, %scan3A_17 : i32
    %scan3A_19 = arith.constant 1 : i32
    scf.for %scan3A_56 = %scan3A_16 to %scan3A_18 step %scan3A_19  : i32 {
      %mul3A_57 = arith.constant 4 : i32
      %mul3A_58 = arith.muli %scan3A_56, %mul3A_57 : i32
      %add3A_59 = arith.constant 0 : i32
      %add3A_60 = arith.addi %mul3A_58, %add3A_59 : i32
      %dma_wait3A_61 = arith.constant 0 : i32
      %dma_wait3A_62 = arith.constant 0 : i32
      %dma_wait3A_63 = tpu.memref_slice %arg6[%dma_wait3A_61, %dma_wait3A_62] : memref<32x200xi32, #tpu.memory_space<vmem>> -> memref<1x200xi32, #tpu.memory_space<vmem>>
      %dma_wait3A_64 = tpu.memref_squeeze %dma_wait3A_63 : memref<1x200xi32, #tpu.memory_space<vmem>> -> memref<200xi32, #tpu.memory_space<vmem>>
      %dma_wait3A_65 = arith.constant 0 : i32
      %dma_wait3A_66 = arith.constant 0 : i32
      %dma_wait3A_67 = tpu.memref_slice %arg3[%dma_wait3A_65, %dma_wait3A_66] : memref<1000000x64xf32, #tpu.memory_space<hbm>> -> memref<1000000x64xf32, #tpu.memory_space<hbm>>
      tpu.wait_indirect_dma semaphore(%arg12 : memref<!tpu.dma_semaphore, #tpu.memory_space<semaphore_mem>>) src(%dma_wait3A_67 : memref<1000000x64xf32, #tpu.memory_space<hbm>>) dst(%arg8 : memref<200x64xf32, #tpu.memory_space<vmem>>)
      %scan3A_68 = arith.constant 0 : i32
      %scan3A_69 = arith.constant 0 : i32
      %scan3A_70 = arith.constant 200 : i32
      %scan3A_71 = arith.addi %scan3A_69, %scan3A_70 : i32
      %scan3A_72 = arith.constant 1 : i32
      scf.for %scan3A_193 = %scan3A_69 to %scan3A_71 step %scan3A_72  : i32 {
        %get3A = arith.index_cast %scan3A_193 : i32 to index
        %get3A_194 = arith.constant 0 : index
        %get3A_195 = tpu.vector_load %arg8[%get3A, %get3A_194] {strides = array<i32>} : memref<200x64xf32, #tpu.memory_space<vmem>>, vector<1x16xf32>,
        %get3A_196 = vector.shape_cast %get3A_195 : vector<1x16xf32> to vector<16xf32>
        %mul3A_197 = arith.constant 8.000000e+00 : f32
        %mul3A_198 = vector.broadcast %mul3A_197 : f32 to vector<16xf32>
        %mul3A_199 = arith.mulf %get3A_196, %mul3A_198 : vector<16xf32>
        %get3A_200 = arith.index_cast %scan3A_193 : i32 to index
        %get3A_201 = arith.constant 0 : index
        %get3A_202 = tpu.vector_load %arg7[%get3A_200, %get3A_201] {strides = array<i32>} : memref<200x64xf32, #tpu.memory_space<vmem>>, vector<1x16xf32>,
        %get3A_203 = vector.shape_cast %get3A_202 : vector<1x16xf32> to vector<16xf32>
        %add3A_204 = arith.addf %mul3A_199, %get3A_203 : vector<16xf32>
        %swap3A = arith.index_cast %scan3A_193 : i32 to index
        %swap3A_205 = arith.constant 0 : index
        %swap3A_206 = tpu.vector_load %arg8[%swap3A, %swap3A_205] {strides = array<i32>} : memref<200x64xf32, #tpu.memory_space<vmem>>, vector<1x16xf32>,
        %swap3A_207 = vector.shape_cast %swap3A_206 : vector<1x16xf32> to vector<16xf32>
        %swap3A_208 = vector.shape_cast %add3A_204 : vector<16xf32> to vector<1x16xf32>
        tpu.vector_store %arg8[%swap3A, %swap3A_205], %swap3A_208 {strides = array<i32>} : memref<200x64xf32, #tpu.memory_space<vmem>>, vector<1x16xf32>,
        %get3A_209 = arith.index_cast %scan3A_193 : i32 to index
        %get3A_210 = arith.constant 16 : index
        %get3A_211 = tpu.vector_load %arg8[%get3A_209, %get3A_210] {strides = array<i32>} : memref<200x64xf32, #tpu.memory_space<vmem>>, vector<1x16xf32>,
        %get3A_212 = vector.shape_cast %get3A_211 : vector<1x16xf32> to vector<16xf32>
        %mul3A_213 = arith.constant 8.000000e+00 : f32
        %mul3A_214 = vector.broadcast %mul3A_213 : f32 to vector<16xf32>
        %mul3A_215 = arith.mulf %get3A_212, %mul3A_214 : vector<16xf32>
        %get3A_216 = arith.index_cast %scan3A_193 : i32 to index
        %get3A_217 = arith.constant 16 : index
        %get3A_218 = tpu.vector_load %arg7[%get3A_216, %get3A_217] {strides = array<i32>} : memref<200x64xf32, #tpu.memory_space<vmem>>, vector<1x16xf32>,
        %get3A_219 = vector.shape_cast %get3A_218 : vector<1x16xf32> to vector<16xf32>
        %add3A_220 = arith.addf %mul3A_215, %get3A_219 : vector<16xf32>
        %swap3A_221 = arith.index_cast %scan3A_193 : i32 to index
        %swap3A_222 = arith.constant 16 : index
        %swap3A_223 = tpu.vector_load %arg8[%swap3A_221, %swap3A_222] {strides = array<i32>} : memref<200x64xf32, #tpu.memory_space<vmem>>, vector<1x16xf32>,
        %swap3A_224 = vector.shape_cast %swap3A_223 : vector<1x16xf32> to vector<16xf32>
        %swap3A_225 = vector.shape_cast %add3A_220 : vector<16xf32> to vector<1x16xf32>
        tpu.vector_store %arg8[%swap3A_221, %swap3A_222], %swap3A_225 {strides = array<i32>} : memref<200x64xf32, #tpu.memory_space<vmem>>, vector<1x16xf32>,
        %get3A_226 = arith.index_cast %scan3A_193 : i32 to index
        %get3A_227 = arith.constant 32 : index
        %get3A_228 = tpu.vector_load %arg8[%get3A_226, %get3A_227] {strides = array<i32>} : memref<200x64xf32, #tpu.memory_space<vmem>>, vector<1x16xf32>,
        %get3A_229 = vector.shape_cast %get3A_228 : vector<1x16xf32> to vector<16xf32>
        %mul3A_230 = arith.constant 8.000000e+00 : f32
        %mul3A_231 = vector.broadcast %mul3A_230 : f32 to vector<16xf32>
        %mul3A_232 = arith.mulf %get3A_229, %mul3A_231 : vector<16xf32>
        %get3A_233 = arith.index_cast %scan3A_193 : i32 to index
        %get3A_234 = arith.constant 32 : index
        %get3A_235 = tpu.vector_load %arg7[%get3A_233, %get3A_234] {strides = array<i32>} : memref<200x64xf32, #tpu.memory_space<vmem>>, vector<1x16xf32>,
        %get3A_236 = vector.shape_cast %get3A_235 : vector<1x16xf32> to vector<16xf32>
        %add3A_237 = arith.addf %mul3A_232, %get3A_236 : vector<16xf32>
        %swap3A_238 = arith.index_cast %scan3A_193 : i32 to index
        %swap3A_239 = arith.constant 32 : index
        %swap3A_240 = tpu.vector_load %arg8[%swap3A_238, %swap3A_239] {strides = array<i32>} : memref<200x64xf32, #tpu.memory_space<vmem>>, vector<1x16xf32>,
        %swap3A_241 = vector.shape_cast %swap3A_240 : vector<1x16xf32> to vector<16xf32>
        %swap3A_242 = vector.shape_cast %add3A_237 : vector<16xf32> to vector<1x16xf32>
        tpu.vector_store %arg8[%swap3A_238, %swap3A_239], %swap3A_242 {strides = array<i32>} : memref<200x64xf32, #tpu.memory_space<vmem>>, vector<1x16xf32>,
        %get3A_243 = arith.index_cast %scan3A_193 : i32 to index
        %get3A_244 = arith.constant 48 : index
        %get3A_245 = tpu.vector_load %arg8[%get3A_243, %get3A_244] {strides = array<i32>} : memref<200x64xf32, #tpu.memory_space<vmem>>, vector<1x16xf32>,
        %get3A_246 = vector.shape_cast %get3A_245 : vector<1x16xf32> to vector<16xf32>
        %mul3A_247 = arith.constant 8.000000e+00 : f32
        %mul3A_248 = vector.broadcast %mul3A_247 : f32 to vector<16xf32>
        %mul3A_249 = arith.mulf %get3A_246, %mul3A_248 : vector<16xf32>
        %get3A_250 = arith.index_cast %scan3A_193 : i32 to index
        %get3A_251 = arith.constant 48 : index
        %get3A_252 = tpu.vector_load %arg7[%get3A_250, %get3A_251] {strides = array<i32>} : memref<200x64xf32, #tpu.memory_space<vmem>>, vector<1x16xf32>,
        %get3A_253 = vector.shape_cast %get3A_252 : vector<1x16xf32> to vector<16xf32>
        %add3A_254 = arith.addf %mul3A_249, %get3A_253 : vector<16xf32>
        %swap3A_255 = arith.index_cast %scan3A_193 : i32 to index
        %swap3A_256 = arith.constant 48 : index
        %swap3A_257 = tpu.vector_load %arg8[%swap3A_255, %swap3A_256] {strides = array<i32>} : memref<200x64xf32, #tpu.memory_space<vmem>>, vector<1x16xf32>,
        %swap3A_258 = vector.shape_cast %swap3A_257 : vector<1x16xf32> to vector<16xf32>
        %swap3A_259 = vector.shape_cast %add3A_254 : vector<16xf32> to vector<1x16xf32>
        tpu.vector_store %arg8[%swap3A_255, %swap3A_256], %swap3A_259 {strides = array<i32>} : memref<200x64xf32, #tpu.memory_space<vmem>>, vector<1x16xf32>,
      }
      %scan3A_73 = arith.constant 200 : i32
      %add3A_74 = arith.addi %mul3A_2, %add3A_60 : i32
      %dma_start3A_75 = arith.constant 0 : i32
      %dma_start3A_76 = arith.constant 0 : i32
      %dma_start3A_77 = tpu.memref_slice %arg5[%add3A_74, %dma_start3A_75, %dma_start3A_76] : memref<1024x200x64xf32, #tpu.memory_space<hbm>> -> memref<1x200x64xf32, #tpu.memory_space<hbm>>
      %dma_start3A_78 = tpu.memref_squeeze %dma_start3A_77 : memref<1x200x64xf32, #tpu.memory_space<hbm>> -> memref<200x64xf32, #tpu.memory_space<hbm>>
      %dma_start3A_79 = arith.constant 0 : i32
      %dma_start3A_80 = arith.constant 0 : i32
      %dma_start3A_81 = tpu.memref_slice %arg5[%add3A_74, %dma_start3A_79, %dma_start3A_80] : memref<1024x200x64xf32, #tpu.memory_space<hbm>> -> memref<1x200x64xf32, #tpu.memory_space<hbm>>
      %dma_start3A_82 = tpu.memref_squeeze %dma_start3A_81 : memref<1x200x64xf32, #tpu.memory_space<hbm>> -> memref<200x64xf32, #tpu.memory_space<hbm>>
      tpu.enqueue_dma source(%arg8 : memref<200x64xf32, #tpu.memory_space<vmem>>) target(%dma_start3A_82 : memref<200x64xf32, #tpu.memory_space<hbm>>) target_semaphore(%arg16 : memref<!tpu.dma_semaphore, #tpu.memory_space<semaphore_mem>>)
      %ge3A = arith.constant 1 : i32
      %ge3A_83 = arith.cmpi sge, %scan3A_56, %ge3A : i32
      %convert_element_type3A = arith.extui %ge3A_83 : i1 to i32
      %cond3A = arith.constant 0 : i32
      %cond3A_84 = arith.cmpi ne, %convert_element_type3A, %cond3A : i32
      scf.if %cond3A_84 {
        %dma_wait3A_193 = arith.constant 0 : i32
        %dma_wait3A_194 = arith.constant 0 : i32
        %dma_wait3A_195 = arith.constant 0 : i32
        %dma_wait3A_196 = tpu.memref_slice %arg5[%dma_wait3A_193, %dma_wait3A_194, %dma_wait3A_195] : memref<1024x200x64xf32, #tpu.memory_space<hbm>> -> memref<1x200x64xf32, #tpu.memory_space<hbm>>
        %dma_wait3A_197 = tpu.memref_squeeze %dma_wait3A_196 : memref<1x200x64xf32, #tpu.memory_space<hbm>> -> memref<200x64xf32, #tpu.memory_space<hbm>>
        %dma_wait3A_198 = arith.constant 0 : i32
        %dma_wait3A_199 = arith.constant 0 : i32
        %dma_wait3A_200 = tpu.memref_slice %arg5[%dma_wait3A_193, %dma_wait3A_198, %dma_wait3A_199] : memref<1024x200x64xf32, #tpu.memory_space<hbm>> -> memref<1x200x64xf32, #tpu.memory_space<hbm>>
        %dma_wait3A_201 = tpu.memref_squeeze %dma_wait3A_200 : memref<1x200x64xf32, #tpu.memory_space<hbm>> -> memref<200x64xf32, #tpu.memory_space<hbm>>
        tpu.wait_dma2 semaphore(%arg18 : memref<!tpu.dma_semaphore, #tpu.memory_space<semaphore_mem>>) src(%arg10 : memref<200x64xf32, #tpu.memory_space<vmem>>) dst(%dma_wait3A_201 : memref<200x64xf32, #tpu.memory_space<hbm>>)
      } else {
      }
      %add3A_85 = arith.constant 2 : i32
      %add3A_86 = arith.addi %add3A_60, %add3A_85 : i32
      %dma_start3A_87 = arith.constant 0 : i32
      %dma_start3A_88 = tpu.memref_slice %arg6[%add3A_86, %dma_start3A_87] : memref<32x200xi32, #tpu.memory_space<vmem>> -> memref<1x200xi32, #tpu.memory_space<vmem>>
      %dma_start3A_89 = tpu.memref_squeeze %dma_start3A_88 : memref<1x200xi32, #tpu.memory_space<vmem>> -> memref<200xi32, #tpu.memory_space<vmem>>
      %dma_start3A_90 = arith.constant 0 : i32
      %dma_start3A_91 = arith.constant 0 : i32
      %dma_start3A_92 = tpu.memref_slice %arg3[%dma_start3A_90, %dma_start3A_91] : memref<1000000x64xf32, #tpu.memory_space<hbm>> -> memref<1000000x64xf32, #tpu.memory_space<hbm>>
      tpu.enqueue_indirect_dma source(%dma_start3A_92 : memref<1000000x64xf32, #tpu.memory_space<hbm>>) target(%arg10 : memref<200x64xf32, #tpu.memory_space<vmem>>) offsets(%dma_start3A_89 : memref<200xi32, #tpu.memory_space<vmem>>) semaphore(%arg14 : memref<!tpu.dma_semaphore, #tpu.memory_space<semaphore_mem>>)
      %mul3A_93 = arith.constant 4 : i32
      %mul3A_94 = arith.muli %scan3A_56, %mul3A_93 : i32
      %add3A_95 = arith.constant 1 : i32
      %add3A_96 = arith.addi %mul3A_94, %add3A_95 : i32
      %dma_wait3A_97 = arith.constant 0 : i32
      %dma_wait3A_98 = arith.constant 0 : i32
      %dma_wait3A_99 = tpu.memref_slice %arg6[%dma_wait3A_97, %dma_wait3A_98] : memref<32x200xi32, #tpu.memory_space<vmem>> -> memref<1x200xi32, #tpu.memory_space<vmem>>
      %dma_wait3A_100 = tpu.memref_squeeze %dma_wait3A_99 : memref<1x200xi32, #tpu.memory_space<vmem>> -> memref<200xi32, #tpu.memory_space<vmem>>
      %dma_wait3A_101 = arith.constant 0 : i32
      %dma_wait3A_102 = arith.constant 0 : i32
      %dma_wait3A_103 = tpu.memref_slice %arg3[%dma_wait3A_101, %dma_wait3A_102] : memref<1000000x64xf32, #tpu.memory_space<hbm>> -> memref<1000000x64xf32, #tpu.memory_space<hbm>>
      tpu.wait_indirect_dma semaphore(%arg13 : memref<!tpu.dma_semaphore, #tpu.memory_space<semaphore_mem>>) src(%dma_wait3A_103 : memref<1000000x64xf32, #tpu.memory_space<hbm>>) dst(%arg9 : memref<200x64xf32, #tpu.memory_space<vmem>>)
      %scan3A_104 = arith.constant 0 : i32
      %scan3A_105 = arith.constant 0 : i32
      %scan3A_106 = arith.constant 200 : i32
      %scan3A_107 = arith.addi %scan3A_105, %scan3A_106 : i32
      %scan3A_108 = arith.constant 1 : i32
      scf.for %scan3A_193 = %scan3A_105 to %scan3A_107 step %scan3A_108  : i32 {
        %get3A = arith.index_cast %scan3A_193 : i32 to index
        %get3A_194 = arith.constant 0 : index
        %get3A_195 = tpu.vector_load %arg9[%get3A, %get3A_194] {strides = array<i32>} : memref<200x64xf32, #tpu.memory_space<vmem>>, vector<1x16xf32>,
        %get3A_196 = vector.shape_cast %get3A_195 : vector<1x16xf32> to vector<16xf32>
        %mul3A_197 = arith.constant 8.000000e+00 : f32
        %mul3A_198 = vector.broadcast %mul3A_197 : f32 to vector<16xf32>
        %mul3A_199 = arith.mulf %get3A_196, %mul3A_198 : vector<16xf32>
        %get3A_200 = arith.index_cast %scan3A_193 : i32 to index
        %get3A_201 = arith.constant 0 : index
        %get3A_202 = tpu.vector_load %arg7[%get3A_200, %get3A_201] {strides = array<i32>} : memref<200x64xf32, #tpu.memory_space<vmem>>, vector<1x16xf32>,
        %get3A_203 = vector.shape_cast %get3A_202 : vector<1x16xf32> to vector<16xf32>
        %add3A_204 = arith.addf %mul3A_199, %get3A_203 : vector<16xf32>
        %swap3A = arith.index_cast %scan3A_193 : i32 to index
        %swap3A_205 = arith.constant 0 : index
        %swap3A_206 = tpu.vector_load %arg9[%swap3A, %swap3A_205] {strides = array<i32>} : memref<200x64xf32, #tpu.memory_space<vmem>>, vector<1x16xf32>,
        %swap3A_207 = vector.shape_cast %swap3A_206 : vector<1x16xf32> to vector<16xf32>
        %swap3A_208 = vector.shape_cast %add3A_204 : vector<16xf32> to vector<1x16xf32>
        tpu.vector_store %arg9[%swap3A, %swap3A_205], %swap3A_208 {strides = array<i32>} : memref<200x64xf32, #tpu.memory_space<vmem>>, vector<1x16xf32>,
        %get3A_209 = arith.index_cast %scan3A_193 : i32 to index
        %get3A_210 = arith.constant 16 : index
        %get3A_211 = tpu.vector_load %arg9[%get3A_209, %get3A_210] {strides = array<i32>} : memref<200x64xf32, #tpu.memory_space<vmem>>, vector<1x16xf32>,
        %get3A_212 = vector.shape_cast %get3A_211 : vector<1x16xf32> to vector<16xf32>
        %mul3A_213 = arith.constant 8.000000e+00 : f32
        %mul3A_214 = vector.broadcast %mul3A_213 : f32 to vector<16xf32>
        %mul3A_215 = arith.mulf %get3A_212, %mul3A_214 : vector<16xf32>
        %get3A_216 = arith.index_cast %scan3A_193 : i32 to index
        %get3A_217 = arith.constant 16 : index
        %get3A_218 = tpu.vector_load %arg7[%get3A_216, %get3A_217] {strides = array<i32>} : memref<200x64xf32, #tpu.memory_space<vmem>>, vector<1x16xf32>,
        %get3A_219 = vector.shape_cast %get3A_218 : vector<1x16xf32> to vector<16xf32>
        %add3A_220 = arith.addf %mul3A_215, %get3A_219 : vector<16xf32>
        %swap3A_221 = arith.index_cast %scan3A_193 : i32 to index
        %swap3A_222 = arith.constant 16 : index
        %swap3A_223 = tpu.vector_load %arg9[%swap3A_221, %swap3A_222] {strides = array<i32>} : memref<200x64xf32, #tpu.memory_space<vmem>>, vector<1x16xf32>,
        %swap3A_224 = vector.shape_cast %swap3A_223 : vector<1x16xf32> to vector<16xf32>
        %swap3A_225 = vector.shape_cast %add3A_220 : vector<16xf32> to vector<1x16xf32>
        tpu.vector_store %arg9[%swap3A_221, %swap3A_222], %swap3A_225 {strides = array<i32>} : memref<200x64xf32, #tpu.memory_space<vmem>>, vector<1x16xf32>,
        %get3A_226 = arith.index_cast %scan3A_193 : i32 to index
        %get3A_227 = arith.constant 32 : index
        %get3A_228 = tpu.vector_load %arg9[%get3A_226, %get3A_227] {strides = array<i32>} : memref<200x64xf32, #tpu.memory_space<vmem>>, vector<1x16xf32>,
        %get3A_229 = vector.shape_cast %get3A_228 : vector<1x16xf32> to vector<16xf32>
        %mul3A_230 = arith.constant 8.000000e+00 : f32
        %mul3A_231 = vector.broadcast %mul3A_230 : f32 to vector<16xf32>
        %mul3A_232 = arith.mulf %get3A_229, %mul3A_231 : vector<16xf32>
        %get3A_233 = arith.index_cast %scan3A_193 : i32 to index
        %get3A_234 = arith.constant 32 : index
        %get3A_235 = tpu.vector_load %arg7[%get3A_233, %get3A_234] {strides = array<i32>} : memref<200x64xf32, #tpu.memory_space<vmem>>, vector<1x16xf32>,
        %get3A_236 = vector.shape_cast %get3A_235 : vector<1x16xf32> to vector<16xf32>
        %add3A_237 = arith.addf %mul3A_232, %get3A_236 : vector<16xf32>
        %swap3A_238 = arith.index_cast %scan3A_193 : i32 to index
        %swap3A_239 = arith.constant 32 : index
        %swap3A_240 = tpu.vector_load %arg9[%swap3A_238, %swap3A_239] {strides = array<i32>} : memref<200x64xf32, #tpu.memory_space<vmem>>, vector<1x16xf32>,
        %swap3A_241 = vector.shape_cast %swap3A_240 : vector<1x16xf32> to vector<16xf32>
        %swap3A_242 = vector.shape_cast %add3A_237 : vector<16xf32> to vector<1x16xf32>
        tpu.vector_store %arg9[%swap3A_238, %swap3A_239], %swap3A_242 {strides = array<i32>} : memref<200x64xf32, #tpu.memory_space<vmem>>, vector<1x16xf32>,
        %get3A_243 = arith.index_cast %scan3A_193 : i32 to index
        %get3A_244 = arith.constant 48 : index
        %get3A_245 = tpu.vector_load %arg9[%get3A_243, %get3A_244] {strides = array<i32>} : memref<200x64xf32, #tpu.memory_space<vmem>>, vector<1x16xf32>,
        %get3A_246 = vector.shape_cast %get3A_245 : vector<1x16xf32> to vector<16xf32>
        %mul3A_247 = arith.constant 8.000000e+00 : f32
        %mul3A_248 = vector.broadcast %mul3A_247 : f32 to vector<16xf32>
        %mul3A_249 = arith.mulf %get3A_246, %mul3A_248 : vector<16xf32>
        %get3A_250 = arith.index_cast %scan3A_193 : i32 to index
        %get3A_251 = arith.constant 48 : index
        %get3A_252 = tpu.vector_load %arg7[%get3A_250, %get3A_251] {strides = array<i32>} : memref<200x64xf32, #tpu.memory_space<vmem>>, vector<1x16xf32>,
        %get3A_253 = vector.shape_cast %get3A_252 : vector<1x16xf32> to vector<16xf32>
        %add3A_254 = arith.addf %mul3A_249, %get3A_253 : vector<16xf32>
        %swap3A_255 = arith.index_cast %scan3A_193 : i32 to index
        %swap3A_256 = arith.constant 48 : index
        %swap3A_257 = tpu.vector_load %arg9[%swap3A_255, %swap3A_256] {strides = array<i32>} : memref<200x64xf32, #tpu.memory_space<vmem>>, vector<1x16xf32>,
        %swap3A_258 = vector.shape_cast %swap3A_257 : vector<1x16xf32> to vector<16xf32>
        %swap3A_259 = vector.shape_cast %add3A_254 : vector<16xf32> to vector<1x16xf32>
        tpu.vector_store %arg9[%swap3A_255, %swap3A_256], %swap3A_259 {strides = array<i32>} : memref<200x64xf32, #tpu.memory_space<vmem>>, vector<1x16xf32>,
      }
      %scan3A_109 = arith.constant 200 : i32
      %add3A_110 = arith.addi %mul3A_2, %add3A_96 : i32
      %dma_start3A_111 = arith.constant 0 : i32
      %dma_start3A_112 = arith.constant 0 : i32
      %dma_start3A_113 = tpu.memref_slice %arg5[%add3A_110, %dma_start3A_111, %dma_start3A_112] : memref<1024x200x64xf32, #tpu.memory_space<hbm>> -> memref<1x200x64xf32, #tpu.memory_space<hbm>>
      %dma_start3A_114 = tpu.memref_squeeze %dma_start3A_113 : memref<1x200x64xf32, #tpu.memory_space<hbm>> -> memref<200x64xf32, #tpu.memory_space<hbm>>
      %dma_start3A_115 = arith.constant 0 : i32
      %dma_start3A_116 = arith.constant 0 : i32
      %dma_start3A_117 = tpu.memref_slice %arg5[%add3A_110, %dma_start3A_115, %dma_start3A_116] : memref<1024x200x64xf32, #tpu.memory_space<hbm>> -> memref<1x200x64xf32, #tpu.memory_space<hbm>>
      %dma_start3A_118 = tpu.memref_squeeze %dma_start3A_117 : memref<1x200x64xf32, #tpu.memory_space<hbm>> -> memref<200x64xf32, #tpu.memory_space<hbm>>
      tpu.enqueue_dma source(%arg9 : memref<200x64xf32, #tpu.memory_space<vmem>>) target(%dma_start3A_118 : memref<200x64xf32, #tpu.memory_space<hbm>>) target_semaphore(%arg17 : memref<!tpu.dma_semaphore, #tpu.memory_space<semaphore_mem>>)
      %ge3A_119 = arith.constant 1 : i32
      %ge3A_120 = arith.cmpi sge, %scan3A_56, %ge3A_119 : i32
      %convert_element_type3A_121 = arith.extui %ge3A_120 : i1 to i32
      %cond3A_122 = arith.constant 0 : i32
      %cond3A_123 = arith.cmpi ne, %convert_element_type3A_121, %cond3A_122 : i32
      scf.if %cond3A_123 {
        %dma_wait3A_193 = arith.constant 0 : i32
        %dma_wait3A_194 = arith.constant 0 : i32
        %dma_wait3A_195 = arith.constant 0 : i32
        %dma_wait3A_196 = tpu.memref_slice %arg5[%dma_wait3A_193, %dma_wait3A_194, %dma_wait3A_195] : memref<1024x200x64xf32, #tpu.memory_space<hbm>> -> memref<1x200x64xf32, #tpu.memory_space<hbm>>
        %dma_wait3A_197 = tpu.memref_squeeze %dma_wait3A_196 : memref<1x200x64xf32, #tpu.memory_space<hbm>> -> memref<200x64xf32, #tpu.memory_space<hbm>>
        %dma_wait3A_198 = arith.constant 0 : i32
        %dma_wait3A_199 = arith.constant 0 : i32
        %dma_wait3A_200 = tpu.memref_slice %arg5[%dma_wait3A_193, %dma_wait3A_198, %dma_wait3A_199] : memref<1024x200x64xf32, #tpu.memory_space<hbm>> -> memref<1x200x64xf32, #tpu.memory_space<hbm>>
        %dma_wait3A_201 = tpu.memref_squeeze %dma_wait3A_200 : memref<1x200x64xf32, #tpu.memory_space<hbm>> -> memref<200x64xf32, #tpu.memory_space<hbm>>
        tpu.wait_dma2 semaphore(%arg19 : memref<!tpu.dma_semaphore, #tpu.memory_space<semaphore_mem>>) src(%arg11 : memref<200x64xf32, #tpu.memory_space<vmem>>) dst(%dma_wait3A_201 : memref<200x64xf32, #tpu.memory_space<hbm>>)
      } else {
      }
      %add3A_124 = arith.constant 2 : i32
      %add3A_125 = arith.addi %add3A_96, %add3A_124 : i32
      %dma_start3A_126 = arith.constant 0 : i32
      %dma_start3A_127 = tpu.memref_slice %arg6[%add3A_125, %dma_start3A_126] : memref<32x200xi32, #tpu.memory_space<vmem>> -> memref<1x200xi32, #tpu.memory_space<vmem>>
      %dma_start3A_128 = tpu.memref_squeeze %dma_start3A_127 : memref<1x200xi32, #tpu.memory_space<vmem>> -> memref<200xi32, #tpu.memory_space<vmem>>
      %dma_start3A_129 = arith.constant 0 : i32
      %dma_start3A_130 = arith.constant 0 : i32
      %dma_start3A_131 = tpu.memref_slice %arg3[%dma_start3A_129, %dma_start3A_130] : memref<1000000x64xf32, #tpu.memory_space<hbm>> -> memref<1000000x64xf32, #tpu.memory_space<hbm>>
      tpu.enqueue_indirect_dma source(%dma_start3A_131 : memref<1000000x64xf32, #tpu.memory_space<hbm>>) target(%arg11 : memref<200x64xf32, #tpu.memory_space<vmem>>) offsets(%dma_start3A_128 : memref<200xi32, #tpu.memory_space<vmem>>) semaphore(%arg15 : memref<!tpu.dma_semaphore, #tpu.memory_space<semaphore_mem>>)
      %mul3A_132 = arith.constant 4 : i32
      %mul3A_133 = arith.muli %scan3A_56, %mul3A_132 : i32
      %add3A_134 = arith.constant 2 : i32
      %add3A_135 = arith.addi %mul3A_133, %add3A_134 : i32
      %dma_wait3A_136 = arith.constant 0 : i32
      %dma_wait3A_137 = arith.constant 0 : i32
      %dma_wait3A_138 = tpu.memref_slice %arg6[%dma_wait3A_136, %dma_wait3A_137] : memref<32x200xi32, #tpu.memory_space<vmem>> -> memref<1x200xi32, #tpu.memory_space<vmem>>
      %dma_wait3A_139 = tpu.memref_squeeze %dma_wait3A_138 : memref<1x200xi32, #tpu.memory_space<vmem>> -> memref<200xi32, #tpu.memory_space<vmem>>
      %dma_wait3A_140 = arith.constant 0 : i32
      %dma_wait3A_141 = arith.constant 0 : i32
      %dma_wait3A_142 = tpu.memref_slice %arg3[%dma_wait3A_140, %dma_wait3A_141] : memref<1000000x64xf32, #tpu.memory_space<hbm>> -> memref<1000000x64xf32, #tpu.memory_space<hbm>>
      tpu.wait_indirect_dma semaphore(%arg14 : memref<!tpu.dma_semaphore, #tpu.memory_space<semaphore_mem>>) src(%dma_wait3A_142 : memref<1000000x64xf32, #tpu.memory_space<hbm>>) dst(%arg10 : memref<200x64xf32, #tpu.memory_space<vmem>>)
      %scan3A_143 = arith.constant 0 : i32
      %scan3A_144 = arith.constant 0 : i32
      %scan3A_145 = arith.constant 200 : i32
      %scan3A_146 = arith.addi %scan3A_144, %scan3A_145 : i32
      %scan3A_147 = arith.constant 1 : i32
      scf.for %scan3A_193 = %scan3A_144 to %scan3A_146 step %scan3A_147  : i32 {
        %get3A = arith.index_cast %scan3A_193 : i32 to index
        %get3A_194 = arith.constant 0 : index
        %get3A_195 = tpu.vector_load %arg10[%get3A, %get3A_194] {strides = array<i32>} : memref<200x64xf32, #tpu.memory_space<vmem>>, vector<1x16xf32>,
        %get3A_196 = vector.shape_cast %get3A_195 : vector<1x16xf32> to vector<16xf32>
        %mul3A_197 = arith.constant 8.000000e+00 : f32
        %mul3A_198 = vector.broadcast %mul3A_197 : f32 to vector<16xf32>
        %mul3A_199 = arith.mulf %get3A_196, %mul3A_198 : vector<16xf32>
        %get3A_200 = arith.index_cast %scan3A_193 : i32 to index
        %get3A_201 = arith.constant 0 : index
        %get3A_202 = tpu.vector_load %arg7[%get3A_200, %get3A_201] {strides = array<i32>} : memref<200x64xf32, #tpu.memory_space<vmem>>, vector<1x16xf32>,
        %get3A_203 = vector.shape_cast %get3A_202 : vector<1x16xf32> to vector<16xf32>
        %add3A_204 = arith.addf %mul3A_199, %get3A_203 : vector<16xf32>
        %swap3A = arith.index_cast %scan3A_193 : i32 to index
        %swap3A_205 = arith.constant 0 : index
        %swap3A_206 = tpu.vector_load %arg10[%swap3A, %swap3A_205] {strides = array<i32>} : memref<200x64xf32, #tpu.memory_space<vmem>>, vector<1x16xf32>,
        %swap3A_207 = vector.shape_cast %swap3A_206 : vector<1x16xf32> to vector<16xf32>
        %swap3A_208 = vector.shape_cast %add3A_204 : vector<16xf32> to vector<1x16xf32>
        tpu.vector_store %arg10[%swap3A, %swap3A_205], %swap3A_208 {strides = array<i32>} : memref<200x64xf32, #tpu.memory_space<vmem>>, vector<1x16xf32>,
        %get3A_209 = arith.index_cast %scan3A_193 : i32 to index
        %get3A_210 = arith.constant 16 : index
        %get3A_211 = tpu.vector_load %arg10[%get3A_209, %get3A_210] {strides = array<i32>} : memref<200x64xf32, #tpu.memory_space<vmem>>, vector<1x16xf32>,
        %get3A_212 = vector.shape_cast %get3A_211 : vector<1x16xf32> to vector<16xf32>
        %mul3A_213 = arith.constant 8.000000e+00 : f32
        %mul3A_214 = vector.broadcast %mul3A_213 : f32 to vector<16xf32>
        %mul3A_215 = arith.mulf %get3A_212, %mul3A_214 : vector<16xf32>
        %get3A_216 = arith.index_cast %scan3A_193 : i32 to index
        %get3A_217 = arith.constant 16 : index
        %get3A_218 = tpu.vector_load %arg7[%get3A_216, %get3A_217] {strides = array<i32>} : memref<200x64xf32, #tpu.memory_space<vmem>>, vector<1x16xf32>,
        %get3A_219 = vector.shape_cast %get3A_218 : vector<1x16xf32> to vector<16xf32>
        %add3A_220 = arith.addf %mul3A_215, %get3A_219 : vector<16xf32>
        %swap3A_221 = arith.index_cast %scan3A_193 : i32 to index
        %swap3A_222 = arith.constant 16 : index
        %swap3A_223 = tpu.vector_load %arg10[%swap3A_221, %swap3A_222] {strides = array<i32>} : memref<200x64xf32, #tpu.memory_space<vmem>>, vector<1x16xf32>,
        %swap3A_224 = vector.shape_cast %swap3A_223 : vector<1x16xf32> to vector<16xf32>
        %swap3A_225 = vector.shape_cast %add3A_220 : vector<16xf32> to vector<1x16xf32>
        tpu.vector_store %arg10[%swap3A_221, %swap3A_222], %swap3A_225 {strides = array<i32>} : memref<200x64xf32, #tpu.memory_space<vmem>>, vector<1x16xf32>,
        %get3A_226 = arith.index_cast %scan3A_193 : i32 to index
        %get3A_227 = arith.constant 32 : index
        %get3A_228 = tpu.vector_load %arg10[%get3A_226, %get3A_227] {strides = array<i32>} : memref<200x64xf32, #tpu.memory_space<vmem>>, vector<1x16xf32>,
        %get3A_229 = vector.shape_cast %get3A_228 : vector<1x16xf32> to vector<16xf32>
        %mul3A_230 = arith.constant 8.000000e+00 : f32
        %mul3A_231 = vector.broadcast %mul3A_230 : f32 to vector<16xf32>
        %mul3A_232 = arith.mulf %get3A_229, %mul3A_231 : vector<16xf32>
        %get3A_233 = arith.index_cast %scan3A_193 : i32 to index
        %get3A_234 = arith.constant 32 : index
        %get3A_235 = tpu.vector_load %arg7[%get3A_233, %get3A_234] {strides = array<i32>} : memref<200x64xf32, #tpu.memory_space<vmem>>, vector<1x16xf32>,
        %get3A_236 = vector.shape_cast %get3A_235 : vector<1x16xf32> to vector<16xf32>
        %add3A_237 = arith.addf %mul3A_232, %get3A_236 : vector<16xf32>
        %swap3A_238 = arith.index_cast %scan3A_193 : i32 to index
        %swap3A_239 = arith.constant 32 : index
        %swap3A_240 = tpu.vector_load %arg10[%swap3A_238, %swap3A_239] {strides = array<i32>} : memref<200x64xf32, #tpu.memory_space<vmem>>, vector<1x16xf32>,
        %swap3A_241 = vector.shape_cast %swap3A_240 : vector<1x16xf32> to vector<16xf32>
        %swap3A_242 = vector.shape_cast %add3A_237 : vector<16xf32> to vector<1x16xf32>
        tpu.vector_store %arg10[%swap3A_238, %swap3A_239], %swap3A_242 {strides = array<i32>} : memref<200x64xf32, #tpu.memory_space<vmem>>, vector<1x16xf32>,
        %get3A_243 = arith.index_cast %scan3A_193 : i32 to index
        %get3A_244 = arith.constant 48 : index
        %get3A_245 = tpu.vector_load %arg10[%get3A_243, %get3A_244] {strides = array<i32>} : memref<200x64xf32, #tpu.memory_space<vmem>>, vector<1x16xf32>,
        %get3A_246 = vector.shape_cast %get3A_245 : vector<1x16xf32> to vector<16xf32>
        %mul3A_247 = arith.constant 8.000000e+00 : f32
        %mul3A_248 = vector.broadcast %mul3A_247 : f32 to vector<16xf32>
        %mul3A_249 = arith.mulf %get3A_246, %mul3A_248 : vector<16xf32>
        %get3A_250 = arith.index_cast %scan3A_193 : i32 to index
        %get3A_251 = arith.constant 48 : index
        %get3A_252 = tpu.vector_load %arg7[%get3A_250, %get3A_251] {strides = array<i32>} : memref<200x64xf32, #tpu.memory_space<vmem>>, vector<1x16xf32>,
        %get3A_253 = vector.shape_cast %get3A_252 : vector<1x16xf32> to vector<16xf32>
        %add3A_254 = arith.addf %mul3A_249, %get3A_253 : vector<16xf32>
        %swap3A_255 = arith.index_cast %scan3A_193 : i32 to index
        %swap3A_256 = arith.constant 48 : index
        %swap3A_257 = tpu.vector_load %arg10[%swap3A_255, %swap3A_256] {strides = array<i32>} : memref<200x64xf32, #tpu.memory_space<vmem>>, vector<1x16xf32>,
        %swap3A_258 = vector.shape_cast %swap3A_257 : vector<1x16xf32> to vector<16xf32>
        %swap3A_259 = vector.shape_cast %add3A_254 : vector<16xf32> to vector<1x16xf32>
        tpu.vector_store %arg10[%swap3A_255, %swap3A_256], %swap3A_259 {strides = array<i32>} : memref<200x64xf32, #tpu.memory_space<vmem>>, vector<1x16xf32>,
      }
      %scan3A_148 = arith.constant 200 : i32
      %add3A_149 = arith.addi %mul3A_2, %add3A_135 : i32
      %dma_start3A_150 = arith.constant 0 : i32
      %dma_start3A_151 = arith.constant 0 : i32
      %dma_start3A_152 = tpu.memref_slice %arg5[%add3A_149, %dma_start3A_150, %dma_start3A_151] : memref<1024x200x64xf32, #tpu.memory_space<hbm>> -> memref<1x200x64xf32, #tpu.memory_space<hbm>>
      %dma_start3A_153 = tpu.memref_squeeze %dma_start3A_152 : memref<1x200x64xf32, #tpu.memory_space<hbm>> -> memref<200x64xf32, #tpu.memory_space<hbm>>
      %dma_start3A_154 = arith.constant 0 : i32
      %dma_start3A_155 = arith.constant 0 : i32
      %dma_start3A_156 = tpu.memref_slice %arg5[%add3A_149, %dma_start3A_154, %dma_start3A_155] : memref<1024x200x64xf32, #tpu.memory_space<hbm>> -> memref<1x200x64xf32, #tpu.memory_space<hbm>>
      %dma_start3A_157 = tpu.memref_squeeze %dma_start3A_156 : memref<1x200x64xf32, #tpu.memory_space<hbm>> -> memref<200x64xf32, #tpu.memory_space<hbm>>
      tpu.enqueue_dma source(%arg10 : memref<200x64xf32, #tpu.memory_space<vmem>>) target(%dma_start3A_157 : memref<200x64xf32, #tpu.memory_space<hbm>>) target_semaphore(%arg18 : memref<!tpu.dma_semaphore, #tpu.memory_space<semaphore_mem>>)
      %lt3A = arith.constant 7 : i32
      %lt3A_158 = arith.cmpi slt, %scan3A_56, %lt3A : i32
      %convert_element_type3A_159 = arith.extui %lt3A_158 : i1 to i32
      %cond3A_160 = arith.constant 0 : i32
      %cond3A_161 = arith.cmpi ne, %convert_element_type3A_159, %cond3A_160 : i32
      scf.if %cond3A_161 {
        %dma_wait3A_193 = arith.constant 0 : i32
        %dma_wait3A_194 = arith.constant 0 : i32
        %dma_wait3A_195 = arith.constant 0 : i32
        %dma_wait3A_196 = tpu.memref_slice %arg5[%dma_wait3A_193, %dma_wait3A_194, %dma_wait3A_195] : memref<1024x200x64xf32, #tpu.memory_space<hbm>> -> memref<1x200x64xf32, #tpu.memory_space<hbm>>
        %dma_wait3A_197 = tpu.memref_squeeze %dma_wait3A_196 : memref<1x200x64xf32, #tpu.memory_space<hbm>> -> memref<200x64xf32, #tpu.memory_space<hbm>>
        %dma_wait3A_198 = arith.constant 0 : i32
        %dma_wait3A_199 = arith.constant 0 : i32
        %dma_wait3A_200 = tpu.memref_slice %arg5[%dma_wait3A_193, %dma_wait3A_198, %dma_wait3A_199] : memref<1024x200x64xf32, #tpu.memory_space<hbm>> -> memref<1x200x64xf32, #tpu.memory_space<hbm>>
        %dma_wait3A_201 = tpu.memref_squeeze %dma_wait3A_200 : memref<1x200x64xf32, #tpu.memory_space<hbm>> -> memref<200x64xf32, #tpu.memory_space<hbm>>
        tpu.wait_dma2 semaphore(%arg16 : memref<!tpu.dma_semaphore, #tpu.memory_space<semaphore_mem>>) src(%arg8 : memref<200x64xf32, #tpu.memory_space<vmem>>) dst(%dma_wait3A_201 : memref<200x64xf32, #tpu.memory_space<hbm>>)
        %add3A_202 = arith.constant 2 : i32
        %add3A_203 = arith.addi %add3A_135, %add3A_202 : i32
        %dma_start3A_204 = arith.constant 0 : i32
        %dma_start3A_205 = tpu.memref_slice %arg6[%add3A_203, %dma_start3A_204] : memref<32x200xi32, #tpu.memory_space<vmem>> -> memref<1x200xi32, #tpu.memory_space<vmem>>
        %dma_start3A_206 = tpu.memref_squeeze %dma_start3A_205 : memref<1x200xi32, #tpu.memory_space<vmem>> -> memref<200xi32, #tpu.memory_space<vmem>>
        %dma_start3A_207 = arith.constant 0 : i32
        %dma_start3A_208 = arith.constant 0 : i32
        %dma_start3A_209 = tpu.memref_slice %arg3[%dma_start3A_207, %dma_start3A_208] : memref<1000000x64xf32, #tpu.memory_space<hbm>> -> memref<1000000x64xf32, #tpu.memory_space<hbm>>
        tpu.enqueue_indirect_dma source(%dma_start3A_209 : memref<1000000x64xf32, #tpu.memory_space<hbm>>) target(%arg8 : memref<200x64xf32, #tpu.memory_space<vmem>>) offsets(%dma_start3A_206 : memref<200xi32, #tpu.memory_space<vmem>>) semaphore(%arg12 : memref<!tpu.dma_semaphore, #tpu.memory_space<semaphore_mem>>)
      } else {
      }
      %mul3A_162 = arith.constant 4 : i32
      %mul3A_163 = arith.muli %scan3A_56, %mul3A_162 : i32
      %add3A_164 = arith.constant 3 : i32
      %add3A_165 = arith.addi %mul3A_163, %add3A_164 : i32
      %dma_wait3A_166 = arith.constant 0 : i32
      %dma_wait3A_167 = arith.constant 0 : i32
      %dma_wait3A_168 = tpu.memref_slice %arg6[%dma_wait3A_166, %dma_wait3A_167] : memref<32x200xi32, #tpu.memory_space<vmem>> -> memref<1x200xi32, #tpu.memory_space<vmem>>
      %dma_wait3A_169 = tpu.memref_squeeze %dma_wait3A_168 : memref<1x200xi32, #tpu.memory_space<vmem>> -> memref<200xi32, #tpu.memory_space<vmem>>
      %dma_wait3A_170 = arith.constant 0 : i32
      %dma_wait3A_171 = arith.constant 0 : i32
      %dma_wait3A_172 = tpu.memref_slice %arg3[%dma_wait3A_170, %dma_wait3A_171] : memref<1000000x64xf32, #tpu.memory_space<hbm>> -> memref<1000000x64xf32, #tpu.memory_space<hbm>>
      tpu.wait_indirect_dma semaphore(%arg15 : memref<!tpu.dma_semaphore, #tpu.memory_space<semaphore_mem>>) src(%dma_wait3A_172 : memref<1000000x64xf32, #tpu.memory_space<hbm>>) dst(%arg11 : memref<200x64xf32, #tpu.memory_space<vmem>>)
      %scan3A_173 = arith.constant 0 : i32
      %scan3A_174 = arith.constant 0 : i32
      %scan3A_175 = arith.constant 200 : i32
      %scan3A_176 = arith.addi %scan3A_174, %scan3A_175 : i32
      %scan3A_177 = arith.constant 1 : i32
      scf.for %scan3A_193 = %scan3A_174 to %scan3A_176 step %scan3A_177  : i32 {
        %get3A = arith.index_cast %scan3A_193 : i32 to index
        %get3A_194 = arith.constant 0 : index
        %get3A_195 = tpu.vector_load %arg11[%get3A, %get3A_194] {strides = array<i32>} : memref<200x64xf32, #tpu.memory_space<vmem>>, vector<1x16xf32>,
        %get3A_196 = vector.shape_cast %get3A_195 : vector<1x16xf32> to vector<16xf32>
        %mul3A_197 = arith.constant 8.000000e+00 : f32
        %mul3A_198 = vector.broadcast %mul3A_197 : f32 to vector<16xf32>
        %mul3A_199 = arith.mulf %get3A_196, %mul3A_198 : vector<16xf32>
        %get3A_200 = arith.index_cast %scan3A_193 : i32 to index
        %get3A_201 = arith.constant 0 : index
        %get3A_202 = tpu.vector_load %arg7[%get3A_200, %get3A_201] {strides = array<i32>} : memref<200x64xf32, #tpu.memory_space<vmem>>, vector<1x16xf32>,
        %get3A_203 = vector.shape_cast %get3A_202 : vector<1x16xf32> to vector<16xf32>
        %add3A_204 = arith.addf %mul3A_199, %get3A_203 : vector<16xf32>
        %swap3A = arith.index_cast %scan3A_193 : i32 to index
        %swap3A_205 = arith.constant 0 : index
        %swap3A_206 = tpu.vector_load %arg11[%swap3A, %swap3A_205] {strides = array<i32>} : memref<200x64xf32, #tpu.memory_space<vmem>>, vector<1x16xf32>,
        %swap3A_207 = vector.shape_cast %swap3A_206 : vector<1x16xf32> to vector<16xf32>
        %swap3A_208 = vector.shape_cast %add3A_204 : vector<16xf32> to vector<1x16xf32>
        tpu.vector_store %arg11[%swap3A, %swap3A_205], %swap3A_208 {strides = array<i32>} : memref<200x64xf32, #tpu.memory_space<vmem>>, vector<1x16xf32>,
        %get3A_209 = arith.index_cast %scan3A_193 : i32 to index
        %get3A_210 = arith.constant 16 : index
        %get3A_211 = tpu.vector_load %arg11[%get3A_209, %get3A_210] {strides = array<i32>} : memref<200x64xf32, #tpu.memory_space<vmem>>, vector<1x16xf32>,
        %get3A_212 = vector.shape_cast %get3A_211 : vector<1x16xf32> to vector<16xf32>
        %mul3A_213 = arith.constant 8.000000e+00 : f32
        %mul3A_214 = vector.broadcast %mul3A_213 : f32 to vector<16xf32>
        %mul3A_215 = arith.mulf %get3A_212, %mul3A_214 : vector<16xf32>
        %get3A_216 = arith.index_cast %scan3A_193 : i32 to index
        %get3A_217 = arith.constant 16 : index
        %get3A_218 = tpu.vector_load %arg7[%get3A_216, %get3A_217] {strides = array<i32>} : memref<200x64xf32, #tpu.memory_space<vmem>>, vector<1x16xf32>,
        %get3A_219 = vector.shape_cast %get3A_218 : vector<1x16xf32> to vector<16xf32>
        %add3A_220 = arith.addf %mul3A_215, %get3A_219 : vector<16xf32>
        %swap3A_221 = arith.index_cast %scan3A_193 : i32 to index
        %swap3A_222 = arith.constant 16 : index
        %swap3A_223 = tpu.vector_load %arg11[%swap3A_221, %swap3A_222] {strides = array<i32>} : memref<200x64xf32, #tpu.memory_space<vmem>>, vector<1x16xf32>,
        %swap3A_224 = vector.shape_cast %swap3A_223 : vector<1x16xf32> to vector<16xf32>
        %swap3A_225 = vector.shape_cast %add3A_220 : vector<16xf32> to vector<1x16xf32>
        tpu.vector_store %arg11[%swap3A_221, %swap3A_222], %swap3A_225 {strides = array<i32>} : memref<200x64xf32, #tpu.memory_space<vmem>>, vector<1x16xf32>,
        %get3A_226 = arith.index_cast %scan3A_193 : i32 to index
        %get3A_227 = arith.constant 32 : index
        %get3A_228 = tpu.vector_load %arg11[%get3A_226, %get3A_227] {strides = array<i32>} : memref<200x64xf32, #tpu.memory_space<vmem>>, vector<1x16xf32>,
        %get3A_229 = vector.shape_cast %get3A_228 : vector<1x16xf32> to vector<16xf32>
        %mul3A_230 = arith.constant 8.000000e+00 : f32
        %mul3A_231 = vector.broadcast %mul3A_230 : f32 to vector<16xf32>
        %mul3A_232 = arith.mulf %get3A_229, %mul3A_231 : vector<16xf32>
        %get3A_233 = arith.index_cast %scan3A_193 : i32 to index
        %get3A_234 = arith.constant 32 : index
        %get3A_235 = tpu.vector_load %arg7[%get3A_233, %get3A_234] {strides = array<i32>} : memref<200x64xf32, #tpu.memory_space<vmem>>, vector<1x16xf32>,
        %get3A_236 = vector.shape_cast %get3A_235 : vector<1x16xf32> to vector<16xf32>
        %add3A_237 = arith.addf %mul3A_232, %get3A_236 : vector<16xf32>
        %swap3A_238 = arith.index_cast %scan3A_193 : i32 to index
        %swap3A_239 = arith.constant 32 : index
        %swap3A_240 = tpu.vector_load %arg11[%swap3A_238, %swap3A_239] {strides = array<i32>} : memref<200x64xf32, #tpu.memory_space<vmem>>, vector<1x16xf32>,
        %swap3A_241 = vector.shape_cast %swap3A_240 : vector<1x16xf32> to vector<16xf32>
        %swap3A_242 = vector.shape_cast %add3A_237 : vector<16xf32> to vector<1x16xf32>
        tpu.vector_store %arg11[%swap3A_238, %swap3A_239], %swap3A_242 {strides = array<i32>} : memref<200x64xf32, #tpu.memory_space<vmem>>, vector<1x16xf32>,
        %get3A_243 = arith.index_cast %scan3A_193 : i32 to index
        %get3A_244 = arith.constant 48 : index
        %get3A_245 = tpu.vector_load %arg11[%get3A_243, %get3A_244] {strides = array<i32>} : memref<200x64xf32, #tpu.memory_space<vmem>>, vector<1x16xf32>,
        %get3A_246 = vector.shape_cast %get3A_245 : vector<1x16xf32> to vector<16xf32>
        %mul3A_247 = arith.constant 8.000000e+00 : f32
        %mul3A_248 = vector.broadcast %mul3A_247 : f32 to vector<16xf32>
        %mul3A_249 = arith.mulf %get3A_246, %mul3A_248 : vector<16xf32>
        %get3A_250 = arith.index_cast %scan3A_193 : i32 to index
        %get3A_251 = arith.constant 48 : index
        %get3A_252 = tpu.vector_load %arg7[%get3A_250, %get3A_251] {strides = array<i32>} : memref<200x64xf32, #tpu.memory_space<vmem>>, vector<1x16xf32>,
        %get3A_253 = vector.shape_cast %get3A_252 : vector<1x16xf32> to vector<16xf32>
        %add3A_254 = arith.addf %mul3A_249, %get3A_253 : vector<16xf32>
        %swap3A_255 = arith.index_cast %scan3A_193 : i32 to index
        %swap3A_256 = arith.constant 48 : index
        %swap3A_257 = tpu.vector_load %arg11[%swap3A_255, %swap3A_256] {strides = array<i32>} : memref<200x64xf32, #tpu.memory_space<vmem>>, vector<1x16xf32>,
        %swap3A_258 = vector.shape_cast %swap3A_257 : vector<1x16xf32> to vector<16xf32>
        %swap3A_259 = vector.shape_cast %add3A_254 : vector<16xf32> to vector<1x16xf32>
        tpu.vector_store %arg11[%swap3A_255, %swap3A_256], %swap3A_259 {strides = array<i32>} : memref<200x64xf32, #tpu.memory_space<vmem>>, vector<1x16xf32>,
      }
      %scan3A_178 = arith.constant 200 : i32
      %add3A_179 = arith.addi %mul3A_2, %add3A_165 : i32
      %dma_start3A_180 = arith.constant 0 : i32
      %dma_start3A_181 = arith.constant 0 : i32
      %dma_start3A_182 = tpu.memref_slice %arg5[%add3A_179, %dma_start3A_180, %dma_start3A_181] : memref<1024x200x64xf32, #tpu.memory_space<hbm>> -> memref<1x200x64xf32, #tpu.memory_space<hbm>>
      %dma_start3A_183 = tpu.memref_squeeze %dma_start3A_182 : memref<1x200x64xf32, #tpu.memory_space<hbm>> -> memref<200x64xf32, #tpu.memory_space<hbm>>
      %dma_start3A_184 = arith.constant 0 : i32
      %dma_start3A_185 = arith.constant 0 : i32
      %dma_start3A_186 = tpu.memref_slice %arg5[%add3A_179, %dma_start3A_184, %dma_start3A_185] : memref<1024x200x64xf32, #tpu.memory_space<hbm>> -> memref<1x200x64xf32, #tpu.memory_space<hbm>>
      %dma_start3A_187 = tpu.memref_squeeze %dma_start3A_186 : memref<1x200x64xf32, #tpu.memory_space<hbm>> -> memref<200x64xf32, #tpu.memory_space<hbm>>
      tpu.enqueue_dma source(%arg11 : memref<200x64xf32, #tpu.memory_space<vmem>>) target(%dma_start3A_187 : memref<200x64xf32, #tpu.memory_space<hbm>>) target_semaphore(%arg19 : memref<!tpu.dma_semaphore, #tpu.memory_space<semaphore_mem>>)
      %lt3A_188 = arith.constant 7 : i32
      %lt3A_189 = arith.cmpi slt, %scan3A_56, %lt3A_188 : i32
      %convert_element_type3A_190 = arith.extui %lt3A_189 : i1 to i32
      %cond3A_191 = arith.constant 0 : i32
      %cond3A_192 = arith.cmpi ne, %convert_element_type3A_190, %cond3A_191 : i32
      scf.if %cond3A_192 {
        %dma_wait3A_193 = arith.constant 0 : i32
        %dma_wait3A_194 = arith.constant 0 : i32
        %dma_wait3A_195 = arith.constant 0 : i32
        %dma_wait3A_196 = tpu.memref_slice %arg5[%dma_wait3A_193, %dma_wait3A_194, %dma_wait3A_195] : memref<1024x200x64xf32, #tpu.memory_space<hbm>> -> memref<1x200x64xf32, #tpu.memory_space<hbm>>
        %dma_wait3A_197 = tpu.memref_squeeze %dma_wait3A_196 : memref<1x200x64xf32, #tpu.memory_space<hbm>> -> memref<200x64xf32, #tpu.memory_space<hbm>>
        %dma_wait3A_198 = arith.constant 0 : i32
        %dma_wait3A_199 = arith.constant 0 : i32
        %dma_wait3A_200 = tpu.memref_slice %arg5[%dma_wait3A_193, %dma_wait3A_198, %dma_wait3A_199] : memref<1024x200x64xf32, #tpu.memory_space<hbm>> -> memref<1x200x64xf32, #tpu.memory_space<hbm>>
        %dma_wait3A_201 = tpu.memref_squeeze %dma_wait3A_200 : memref<1x200x64xf32, #tpu.memory_space<hbm>> -> memref<200x64xf32, #tpu.memory_space<hbm>>
        tpu.wait_dma2 semaphore(%arg17 : memref<!tpu.dma_semaphore, #tpu.memory_space<semaphore_mem>>) src(%arg9 : memref<200x64xf32, #tpu.memory_space<vmem>>) dst(%dma_wait3A_201 : memref<200x64xf32, #tpu.memory_space<hbm>>)
        %add3A_202 = arith.constant 2 : i32
        %add3A_203 = arith.addi %add3A_165, %add3A_202 : i32
        %dma_start3A_204 = arith.constant 0 : i32
        %dma_start3A_205 = tpu.memref_slice %arg6[%add3A_203, %dma_start3A_204] : memref<32x200xi32, #tpu.memory_space<vmem>> -> memref<1x200xi32, #tpu.memory_space<vmem>>
        %dma_start3A_206 = tpu.memref_squeeze %dma_start3A_205 : memref<1x200xi32, #tpu.memory_space<vmem>> -> memref<200xi32, #tpu.memory_space<vmem>>
        %dma_start3A_207 = arith.constant 0 : i32
        %dma_start3A_208 = arith.constant 0 : i32
        %dma_start3A_209 = tpu.memref_slice %arg3[%dma_start3A_207, %dma_start3A_208] : memref<1000000x64xf32, #tpu.memory_space<hbm>> -> memref<1000000x64xf32, #tpu.memory_space<hbm>>
        tpu.enqueue_indirect_dma source(%dma_start3A_209 : memref<1000000x64xf32, #tpu.memory_space<hbm>>) target(%arg9 : memref<200x64xf32, #tpu.memory_space<vmem>>) offsets(%dma_start3A_206 : memref<200xi32, #tpu.memory_space<vmem>>) semaphore(%arg13 : memref<!tpu.dma_semaphore, #tpu.memory_space<semaphore_mem>>)
      } else {
      }
    }
    %scan3A_20 = arith.constant 8 : i32
    %dma_wait3A = arith.constant 0 : i32
    %dma_wait3A_21 = arith.constant 0 : i32
    %dma_wait3A_22 = arith.constant 0 : i32
    %dma_wait3A_23 = tpu.memref_slice %arg5[%dma_wait3A, %dma_wait3A_21, %dma_wait3A_22] : memref<1024x200x64xf32, #tpu.memory_space<hbm>> -> memref<1x200x64xf32, #tpu.memory_space<hbm>>
    %dma_wait3A_24 = tpu.memref_squeeze %dma_wait3A_23 : memref<1x200x64xf32, #tpu.memory_space<hbm>> -> memref<200x64xf32, #tpu.memory_space<hbm>>
    %dma_wait3A_25 = arith.constant 0 : i32
    %dma_wait3A_26 = arith.constant 0 : i32
    %dma_wait3A_27 = tpu.memref_slice %arg5[%dma_wait3A, %dma_wait3A_25, %dma_wait3A_26] : memref<1024x200x64xf32, #tpu.memory_space<hbm>> -> memref<1x200x64xf32, #tpu.memory_space<hbm>>
    %dma_wait3A_28 = tpu.memref_squeeze %dma_wait3A_27 : memref<1x200x64xf32, #tpu.memory_space<hbm>> -> memref<200x64xf32, #tpu.memory_space<hbm>>
    tpu.wait_dma2 semaphore(%arg16 : memref<!tpu.dma_semaphore, #tpu.memory_space<semaphore_mem>>) src(%arg8 : memref<200x64xf32, #tpu.memory_space<vmem>>) dst(%dma_wait3A_28 : memref<200x64xf32, #tpu.memory_space<hbm>>)
    %dma_wait3A_29 = arith.constant 0 : i32
    %dma_wait3A_30 = arith.constant 0 : i32
    %dma_wait3A_31 = arith.constant 0 : i32
    %dma_wait3A_32 = tpu.memref_slice %arg5[%dma_wait3A_29, %dma_wait3A_30, %dma_wait3A_31] : memref<1024x200x64xf32, #tpu.memory_space<hbm>> -> memref<1x200x64xf32, #tpu.memory_space<hbm>>
    %dma_wait3A_33 = tpu.memref_squeeze %dma_wait3A_32 : memref<1x200x64xf32, #tpu.memory_space<hbm>> -> memref<200x64xf32, #tpu.memory_space<hbm>>
    %dma_wait3A_34 = arith.constant 0 : i32
    %dma_wait3A_35 = arith.constant 0 : i32
    %dma_wait3A_36 = tpu.memref_slice %arg5[%dma_wait3A_29, %dma_wait3A_34, %dma_wait3A_35] : memref<1024x200x64xf32, #tpu.memory_space<hbm>> -> memref<1x200x64xf32, #tpu.memory_space<hbm>>
    %dma_wait3A_37 = tpu.memref_squeeze %dma_wait3A_36 : memref<1x200x64xf32, #tpu.memory_space<hbm>> -> memref<200x64xf32, #tpu.memory_space<hbm>>
    tpu.wait_dma2 semaphore(%arg17 : memref<!tpu.dma_semaphore, #tpu.memory_space<semaphore_mem>>) src(%arg9 : memref<200x64xf32, #tpu.memory_space<vmem>>) dst(%dma_wait3A_37 : memref<200x64xf32, #tpu.memory_space<hbm>>)
    %dma_wait3A_38 = arith.constant 0 : i32
    %dma_wait3A_39 = arith.constant 0 : i32
    %dma_wait3A_40 = arith.constant 0 : i32
    %dma_wait3A_41 = tpu.memref_slice %arg5[%dma_wait3A_38, %dma_wait3A_39, %dma_wait3A_40] : memref<1024x200x64xf32, #tpu.memory_space<hbm>> -> memref<1x200x64xf32, #tpu.memory_space<hbm>>
    %dma_wait3A_42 = tpu.memref_squeeze %dma_wait3A_41 : memref<1x200x64xf32, #tpu.memory_space<hbm>> -> memref<200x64xf32, #tpu.memory_space<hbm>>
    %dma_wait3A_43 = arith.constant 0 : i32
    %dma_wait3A_44 = arith.constant 0 : i32
    %dma_wait3A_45 = tpu.memref_slice %arg5[%dma_wait3A_38, %dma_wait3A_43, %dma_wait3A_44] : memref<1024x200x64xf32, #tpu.memory_space<hbm>> -> memref<1x200x64xf32, #tpu.memory_space<hbm>>
    %dma_wait3A_46 = tpu.memref_squeeze %dma_wait3A_45 : memref<1x200x64xf32, #tpu.memory_space<hbm>> -> memref<200x64xf32, #tpu.memory_space<hbm>>
    tpu.wait_dma2 semaphore(%arg18 : memref<!tpu.dma_semaphore, #tpu.memory_space<semaphore_mem>>) src(%arg10 : memref<200x64xf32, #tpu.memory_space<vmem>>) dst(%dma_wait3A_46 : memref<200x64xf32, #tpu.memory_space<hbm>>)
    %dma_wait3A_47 = arith.constant 0 : i32
    %dma_wait3A_48 = arith.constant 0 : i32
    %dma_wait3A_49 = arith.constant 0 : i32
    %dma_wait3A_50 = tpu.memref_slice %arg5[%dma_wait3A_47, %dma_wait3A_48, %dma_wait3A_49] : memref<1024x200x64xf32, #tpu.memory_space<hbm>> -> memref<1x200x64xf32, #tpu.memory_space<hbm>>
    %dma_wait3A_51 = tpu.memref_squeeze %dma_wait3A_50 : memref<1x200x64xf32, #tpu.memory_space<hbm>> -> memref<200x64xf32, #tpu.memory_space<hbm>>
    %dma_wait3A_52 = arith.constant 0 : i32
    %dma_wait3A_53 = arith.constant 0 : i32
    %dma_wait3A_54 = tpu.memref_slice %arg5[%dma_wait3A_47, %dma_wait3A_52, %dma_wait3A_53] : memref<1024x200x64xf32, #tpu.memory_space<hbm>> -> memref<1x200x64xf32, #tpu.memory_space<hbm>>
    %dma_wait3A_55 = tpu.memref_squeeze %dma_wait3A_54 : memref<1x200x64xf32, #tpu.memory_space<hbm>> -> memref<200x64xf32, #tpu.memory_space<hbm>>
    tpu.wait_dma2 semaphore(%arg19 : memref<!tpu.dma_semaphore, #tpu.memory_space<semaphore_mem>>) src(%arg11 : memref<200x64xf32, #tpu.memory_space<vmem>>) dst(%dma_wait3A_55 : memref<200x64xf32, #tpu.memory_space<hbm>>)
    return
  }
}

</mosaic_0001>

<sc_bundles>
// kernel: kernel.3.cloned.1.call-start
scs
__scs_entry_jumppad:
0x0: {  	(pc) =	sbr.rel $0x88, $3  }
0x1: {  	(tag) =	ssettag $0x0;
	lr =	simm.s32 $0x1  }
0x2: {  	[smem:$0x3F9E] =	sst lr;
	_ =	strace $0xD0000000  }
0x3: {  	_ = 	snop  }
0x4: {  	_ = 	snop  }
0x5: {  	_ = 	snop  }
0x6: {  	_ = 	snop  }
0x7: {  	_ = 	snop  }
__scs_overlays_trampoline_lowered:
0x8: {  	[smem:$0x3FAD] =	sst s0  }
0x9: {  	[smem:$0x3FAE] =	sst s1  }
0xa: {  	[smem:$0x3FAF] =	sst s2  }
0xb: {  	[smem:$0x3FB0] =	sst s3  }
0xc: {  	[smem:$0x3FB1] =	sst s4  }
0xd: {  	[smem:$0x3FB2] =	sst s5  }
0xe: {  	[smem:$0x3FB3] =	sst s6  }
0xf: {  	[smem:$0x3FB4] =	sst s7  }
0x10: {  	[smem:$0x3FB5] =	sst s8  }
0x11: {  	[smem:$0x3FB6] =	sst s9;
	s0 =	simm.s32 @!p0 $0x0  }
0x12: {  	s1 =	sld [smem:$0x3F9C];
	s0 =	simm.s32 @p0 $0x1  }
0x13: {  	[smem:$0x3FB7] =	sst s0;
	s0 =	simm.s32 @!p1 $0x0  }
0x14: {  	s2 =	sld [smem:$0x3F9B];
	s0 =	simm.s32 @p1 $0x1  }
0x15: {  	[smem:$0x3FB8] =	sst s0;
	s0 =	simm.s32 @!p2 $0x0  }
0x16: {  	s3 =	sld [smem:$0x3FDB];
	s0 =	simm.s32 @p2 $0x1  }
0x17: {  	s4 =	simm.s32 $0x1BF5;
	[smem:$0x3FBA] =	sst s0  }
0x18: {  	s0 =	sld [smem:$0x3F9D];
	_ =	swait.ge [sflag:s4], $0x0  }
0x19: {  	s7 =	sld [smem:$0x3F9E]  }
0x1a: {  	s8 =	sadd.s32 $0xFFFFE003, lr  }
0x1b: {  	s9 =	sadd.s32 $0xFFFFFEF7, lr;
	s5 =	simm.s32 $0xFFFFFFFF;
	p2 =	slt.u32 s8, $0xFFFFF086  }
0x1c: {  	p1 =	slt.u32 s9, $0xF7A;
	s5 =	simm.s32 @!p2 $0x0  }
0x1d: {  	s5 =	simm.s32 @p1 $0x1;
	p0 =	seq.s32 s7, s2  }
0x1e: {  	s7 =	smul.u32 @!p0 $0xF7A, s2;
	p2 =	seq.s32 @!p0 s5, $0x0  }
0x1f: {  	s9 =	smul.u32 $0xF7A, s1;
	s8 =	simm.s32 @!p0 $0x1BF5;
	p2 =	por !p2, p0  }
0x20: {  	[sflag:s8] =	ssyncset.s32 @!p0 $0xFFFFF086;
	s6 =	sadd.s32 @!p0 s3, s7;
	s7 =	simm.s32 @!p0 $0x108  }
0x21: {  	s3 =	sadd.s32 s3, s9;
	s6 =	sadd.s32 @!p0 $0x88, s6;
	s7 =	simm.s32 @p2 $0x1082  }
0x22: {  	[simem:s7], [sflag:s8] =	dma.local @!p0 [hbm:s6], $0xF7A  }
0x23: {  	s9 =	sor.u32 $0xD0000000, s2;
	s6 =	simm.s32 $0x108;
	_ =	swait.ge @!p0 [sflag:s8], $0x0  }
0x24: {  	s3 =	sadd.s32 $0x88, s3;
	s6 =	simm.s32 @!p1 $0x1082;
	[sflag:s4] =	ssyncset.s32 $0xFFFFF086  }
0x25: {  	[simem:s6], [sflag:s4] =	dma.local [hbm:s3], $0xF7A  }
0x26: {  	[smem:$0x3F9E] =	sst s1;
	(tag) =	ssettag s2;
	_ =	strace s9  }
0x27: {  	s1 =	sld [smem:$0x3FAE]  }
0x28: {  	s2 =	sld [smem:$0x3FAF]  }
0x29: {  	s4 =	sld [smem:$0x3FB1]  }
0x2a: {  	p0 =	seq.s32 s5, $0x0;
	s5 =	sld [smem:$0x3FB2]  }
0x2b: {  	s6 =	sld [smem:$0x3FB3]  }
0x2c: {  	s7 =	sld [smem:$0x3FB4]  }
0x2d: {  	s3 =	simm.s32 $0x108;
	s8 =	sld [smem:$0x3FB5]  }
0x2e: {  	s3 =	simm.s32 @!p0 $0x1082;
	s9 =	sld [smem:$0x3FB6]  }
0x2f: {  	lr =	sadd.s32 s0, s3;
	s0 =	sld [smem:$0x3FAD]  }
0x30: {  	s3 =	sld [smem:$0x3FB0]  }
0x31: {  	[smem:$0x3FB9] =	sst s10  }
0x32: {  	s10 =	sld [smem:$0x3FB7];
	_ =	sdelay $0x3  }
0x33: {  	p0 =	seq.s32 s10, $0x1;
	s10 =	sld [smem:$0x3FB9];
	_ =	sdelay $0x3  }
0x34: {  	[smem:$0x3FB9] =	sst s10  }
0x35: {  	s10 =	sld [smem:$0x3FB8];
	_ =	sdelay $0x3  }
0x36: {  	p1 =	seq.s32 s10, $0x1;
	s10 =	sld [smem:$0x3FB9];
	_ =	sdelay $0x3  }
0x37: {  	[smem:$0x3FB9] =	sst s10  }
0x38: {  	s10 =	sld [smem:$0x3FBA]  }
0x39: {  	_ = 	snop;
	(pc) =	sbr.ind lr, $3  }
0x3a: {  	_ = 	snop  }
0x3b: {  	_ = 	snop  }
0x3c: {  	p2 =	seq.s32 s10, $0x1;
	s10 =	sld [smem:$0x3FB9]  }
0x3d: {  	_ =	shalt  }
0x3e: {  	_ =	shalt  }
0x3f: {  	_ =	shalt  }
0x40: {  	_ =	shalt  }
0x41: {  	_ =	shalt  }
0x42: {  	_ =	shalt  }
0x43: {  	_ =	shalt  }
0x44: {  	_ =	shalt  }
0x45: {  	_ =	shalt  }
0x46: {  	_ =	shalt  }
0x47: {  	_ =	shalt  }
0x48: {  	_ =	shalt  }
0x49: {  	_ =	shalt  }
0x4a: {  	_ =	shalt  }
0x4b: {  	_ =	shalt  }
0x4c: {  	_ =	shalt  }
0x4d: {  	_ =	shalt  }
0x4e: {  	_ =	shalt  }
0x4f: {  	_ =	shalt  }
0x50: {  	_ =	shalt  }
0x51: {  	_ =	shalt  }
0x52: {  	_ =	shalt  }
0x53: {  	_ =	shalt  }
0x54: {  	_ =	shalt  }
0x55: {  	_ =	shalt  }
0x56: {  	_ =	shalt  }
0x57: {  	_ =	shalt  }
0x58: {  	_ =	shalt  }
0x59: {  	_ =	shalt  }
0x5a: {  	_ =	shalt  }
0x5b: {  	_ =	shalt  }
0x5c: {  	_ =	shalt  }
0x5d: {  	_ =	shalt  }
0x5e: {  	_ =	shalt  }
0x5f: {  	_ =	shalt  }
0x60: {  	_ =	shalt  }
0x61: {  	_ =	shalt  }
0x62: {  	_ =	shalt  }
0x63: {  	_ =	shalt  }
0x64: {  	_ =	shalt  }
0x65: {  	_ =	shalt  }
0x66: {  	_ =	shalt  }
0x67: {  	_ =	shalt  }
0x68: {  	_ =	shalt  }
0x69: {  	_ =	shalt  }
0x6a: {  	_ =	shalt  }
0x6b: {  	_ =	shalt  }
0x6c: {  	_ =	shalt  }
0x6d: {  	_ =	shalt  }
0x6e: {  	_ =	shalt  }
0x6f: {  	_ =	shalt  }
0x70: {  	_ =	shalt  }
0x71: {  	_ =	shalt  }
0x72: {  	_ =	shalt  }
0x73: {  	_ =	shalt  }
0x74: {  	_ =	shalt  }
0x75: {  	_ =	shalt  }
0x76: {  	_ =	shalt  }
0x77: {  	_ =	shalt  }
0x78: {  	_ =	shalt  }
0x79: {  	_ =	shalt  }
0x7a: {  	_ =	shalt  }
0x7b: {  	_ =	shalt  }
0x7c: {  	_ =	shalt  }
0x7d: {  	_ =	shalt  }
0x7e: {  	_ =	shalt  }
0x7f: {  	_ =	shalt  }
0x80: {  	_ =	shalt  }
0x81: {  	_ =	shalt  }
0x82: {  	_ =	shalt  }
0x83: {  	_ =	shalt  }
0x84: {  	_ =	shalt  }
0x85: {  	_ =	shalt  }
0x86: {  	_ =	shalt  }
0x87: {  	_ =	shalt  }
.Lfunc_end0:
.L_simem_size_0:
called_computation.1_lowered:
.L_overlay_start_0:
0x88: {  	s2 =	sld [smem:$0x3FD9]  }
0x89: {  	s3 =	sld [smem:$0x3FFE];
	_ =	sdelay $0x1  }
0x8a: {  	s1 =	srdreg.scid  }
0x8b: {  	s0 =	sand.u32 $0x1, s1  }
0x8c: {  	s17 =	sshll.u32 s0, $0xA;
	s2 =	sadd.s32 s3, s2  }
0x8d: {  	s2 =	sadd.s32 s2, s17  }
0x8e: {  	[smem:$0x3FC5] =	sst s2  }
0x8f: {  	_ = 	snop  }
0x90: {  	s2 =	sld [smem:$0x3FD0];
	(tm) =	ssettm $0x1  }
0x91: {  	s18 =	sld [smem:$0x3FFB];
	_ =	sdelay $0x3  }
0x92: {  	_ =	strace s18  }
0x93: {  	s3 =	sld [smem:$0x3FFC];
	_ =	sdelay $0x3  }
0x94: {  	_ =	strace s3  }
0x95: {  	s3 =	sld [smem:$0x3FFD];
	_ =	sdelay $0x3  }
0x96: {  	_ =	strace s3  }
0x97: {  	_ =	strace $0x8FFFFFFF  }
0x98: {  	s19 =	sld [smem:$0x3FDB];
	_ =	sdelay $0x1  }
0x99: {  	s4 =	simm.s32 $_scs_section_size  }
0x9a: {  	s5 =	simm.s32 $_size__tile_overlayer_lowered;
	s6 =	simm.s32 $_tile_overlayer_lowered  }
0x9b: {  	s22 =	simm.s32 $0x1BFF;
	s21 =	sshll.u32 s6, $0x1;
	s3 =	sadd.s32 s4, s19  }
0x9c: {  	s7 =	simm.s32 $0x0;
	s20 =	sshll.u32 s5, $0x1;
	s5 =	sadd.s32 s21, s3  }
0x9d: {  	[timem:s7], [sflag:s22] =	dma.local [hbm:s5], s20  }
0x9e: {  	_ =	swait.ge [sflag:s22], s20  }
0x9f: {  	s4 =	ssub.s32 $0x0, s20;
	[sflag:s22] =	ssyncset.done $0x0  }
0xa0: {  	[sflag:s22] =	ssyncadd.s32 s4;
	_ =	sdelay $0x1  }
0xa1: {  	s23 =	simm.s32 $0x1B8B  }
0xa2: {  	_ =	swait.ge [sflag:s23], $0x1  }
0xa3: {  	[sflag:s23] =	ssyncset.done $0x0  }
0xa4: {  	s25 =	simm.s32 $0x1B8E;
	s24 =	sld [smem:$0x3FFE];
	[sflag:s23] =	ssyncadd.s32 $0xFFFFFFFF  }
0xa5: {  	s26 =	simm.s32 $execute0_lowered;
	[smem:$0x3FD2] =	sst s25  }
0xa6: {  	s5 =	sshll.u32 s26, $0x1;
	_ =	strace $0x80000046;
	[dreg:$0x1] =	wrdreg $0xFFFFFFFF  }
0xa7: {  	s28 =	simm.s32 $_size_execute0_lowered;
	s3 =	sadd.s32 s3, s5;
	[dreg:$0x0] =	wrdreg $0x0  }
0xa8: {  	s5 =	sshll.u32 s28, $0x1;
	[dreg:$0x2] =	wrdreg s3  }
0xa9: {  	[dreg:$0x3] =	wrdreg s5  }
0xaa: {  	[dreg:$0x4] =	wrdreg $0xC0  }
0xab: {  	_ =	task [dreg:s7], $0x5FFFF  }
0xac: {  	[dreg:$0x1] =	wrdreg $0xFFFFFFFF  }
0xad: {  	[dreg:$0x0] =	wrdreg $0x60  }
0xae: {  	[dreg:$0x2] =	wrdreg s24  }
0xaf: {  	[dreg:$0x3] =	wrdreg s2  }
0xb0: {  	[dreg:$0x4] =	wrdreg $0x9  }
0xb1: {  	_ =	task.clear_ibuf [dreg:s7], $0x5FFFF;
	_ =	strace $0x90000046  }
0xb2: {  	s29 =	simm.s32 $0x9;
	_ =	strace $0x80000048  }
0xb3: {  	_ =	swait.ge [sflag:s29], $0x1  }
0xb4: {  	[sflag:s29] =	ssyncadd.s32 $0xFFFFFFFF  }
0xb5: {  	_ =	strace $0x90000048  }
0xb6: {  	_ =	sfence  }
0xb7: {  	s30 =	sld [smem:$0x0];
	_ =	sdelay $0x2  }
0xb8: {  	s31 =	sshll.u32 s1, $0xD;
	s1 =	sshrl.u32 s1, $0x2  }
0xb9: {  	s3 =	sand.u32 $0x4000, s31;
	s1 =	sadd.s32 s1, s30  }
0xba: {  	s0 =	sor.u32 s3, s0;
	s1 =	sshll.u32 s1, $0x11  }
0xbb: {  	s0 =	sor.u32 s1, s0  }
0xbc: {  	s0 =	sadd.s32 $0x8F2B, s0  }
0xbd: {  	[sflag:s0] =	ssyncadd.remote.s32 $0x1  }
0xbe: {  	_ =	sfence.sel $0xFFFF  }
0xbf: {  	[dreg:$0x0] =	wrdreg $0xFFFFFFFF;
	(pc) =	sbr.abs _section_cstart, $3  }
0xc0: {  	[dreg:$0x1] =	wrdreg $0xFFFFFFFF  }
0xc1: {  	_ =	task.clear_ibuf [dreg:s7], $0x2FFFF;
	_ =	strace $0x9FFFFFFF  }
0xc2: {  	(tm) =	ssettm $0x7FFFFFFF  }
0xc3: {  	_ =	shalt  }
tec
execute0_lowered:
.L_overlay_start_1:
0x0: {  	(tag) =	ssettag $0x1  }
0x1: {  	s1 =	srdreg.scid;
	s6 =	rddreg [dreg:$0x0]  }
0x2: {  	s0 =	stileid.u32;
	s2 =	rddreg [dreg:$0x1];
	s4 =	simm.s32 $0x0  }
0x3: {  	s10 =	simm.s32 $0x1900;
	s11 =	simm.s32 $0xC8;
	s12 =	simm.s32 $0x4B00  }
0x4: {  	s13 =	simm.s32 $0x7D00;
	s14 =	simm.s32 $0x1;
	s15 =	simm.s32 $0xAF00  }
0x5: {  	s16 =	simm.s32 $0x2;
	s17 =	simm.s32 $0xE100;
	s18 =	simm.s32 $0x3  }
0x6: {  	s19 =	simm.s32 $0x4;
	s20 =	simm.s32 $0x5;
	s21 =	simm.s32 $0x6  }
0x7: {  	s22 =	simm.s32 $0x7;
	s23 =	simm.s32 $0x8;
	s5 =	sand.u32 $0x1, s1  }
0x8: {  	s24 =	simm.s32 $0x0;
	s31 =	sshll.u32 s0, $0x6;
	s3 =	sshll.u32 s5, $0x5  }
.Ltmp0:
0x9: {  	s1 =	rddreg [dreg:$0x2];
	s3 =	sor.u32 s3, s31;
	(pc) =	sbr.rel .LBB2_1-.Ltmp0, $4  }
0xa: {  	[smem:$0x7FF] =	sst s4;
	s8 =	ssub.s32 $0x2, s5;
	s7 =	smul.u32 $0x19, s3  }
0xb: {  	_ =	strace $0x80000047;
	s5 =	sadd.s32 $0xF43000, s6;
	s9 =	sshrl.u32 s8, $0x1  }
0xc: {  	s8 =	ssub.s32 s8, s9;
	s9 =	simm.s32 $0x9;
	s7 =	sadd.s32 s7, s6  }
0xd: {  	s8 =	smax.u32 s8, $0x1;
	s6 =	sadd.s32 $0x7000, s6;
	s7 =	sadd.s32 $0xC00, s7  }
.LBB2_12:
0xe: {  	_ =	swait.ge [sflag:s20], $0x3200  }
0xf: {  	[sflag:s20] =	ssyncset.done $0x0  }
0x10: {  	[sflag:s20] =	ssyncadd.s32 $0xFFFFCE00  }
0x11: {  	_ =	swait.ge [sflag:s21], $0x3200  }
0x12: {  	[sflag:s21] =	ssyncset.done $0x0  }
0x13: {  	s24 =	sadd.s32 $0x1, s24;
	[sflag:s21] =	ssyncadd.s32 $0xFFFFCE00  }
0x14: {  	p0 =	sne.s32 s24, s8;
	_ =	swait.ge [sflag:s22], $0x3200  }
.Ltmp1:
0x15: {  	[sflag:s22] =	ssyncset.done $0x0;
	(pc) =	sbr.rel @!p0 .LBB2_13-.Ltmp1, $4  }
0x16: {  	[sflag:s22] =	ssyncadd.s32 $0xFFFFCE00  }
0x17: {  	_ =	swait.ge [sflag:s23], $0x3200  }
0x18: {  	[sflag:s23] =	ssyncset.done $0x0  }
0x19: {  	[sflag:s23] =	ssyncadd.s32 $0xFFFFCE00  }
.LBB2_1:
0x1a: {  	[tilespmem:s4], [sflag:$0x9] =	stream.linear.gather [hbm4b:s7+s4], $0x1900, $0x38;
	[tilespmem:$0x11300] =	vst v63  }
0x1b: {  	_ =	swait.ge [sflag:s9], $0x1900  }
0x1c: {  	[sflag:s9] =	ssyncset.done $0x0  }
0x1d: {  	[sflag:s9] =	ssyncadd.s32 $0xFFFFE700  }
0x1e: {  	[tilespmem:s10], [sflag:$0x9] =	stream.linear.gather [hbm4b:s6+s4], $0x3200, $0x38;
	[tilespmem:$0x11300] =	vst v63  }
0x1f: {  	_ =	swait.ge [sflag:s9], $0x3200  }
0x20: {  	[sflag:s9] =	ssyncset.done $0x0  }
0x21: {  	[sflag:s9] =	ssyncadd.s32 $0xFFFFCE00  }
0x22: {  	[tilespmem:s12], [sflag:$0x1] =	stream.indirect.gather [hbm4b:s5+s11], $0x40, s4, s11, $0xb8;
	[tilespmem:$0x11300] =	vst v63  }
0x23: {  	s25 =	simm.s32 $0x0  }
0x24: {  	[tilespmem:s13], [sflag:$0x2] =	stream.indirect.gather [hbm4b:s5+s11], $0x40, s11, s11, $0xb8;
	[tilespmem:$0x11300] =	vst v63  }
.LBB2_2:
0x25: {  	_ =	swait.ge [sflag:s14], $0x3200  }
0x26: {  	[sflag:s14] =	ssyncset.done $0x0  }
0x27: {  	s28 =	simm.s32 $0x0;
	[sflag:s14] =	ssyncadd.s32 $0xFFFFCE00  }
0x28: {  	v1 =	vld [tilespmem:s28+$0x1900]  }
0x29: {  	v0 =	vld [tilespmem:s28+$0x1910]  }
0x2a: {  	v3 =	vld [tilespmem:s28+$0x4B00]  }
0x2b: {  	v4 =	vld [tilespmem:s28+$0x4B10]  }
0x2c: {  	s26 =	simm.s32 $0x100;
	v2 =	vld [tilespmem:s28+$0x4B20]  }
.LBB2_3:
0x2d: {  	p0 =	sne.s32 s26, $0xC700;
	v5 =	vld [tilespmem:s28+$0x4B30]  }
0x2e: {  	v6 =	vld [tilespmem:s28+$0x1920]  }
0x2f: {  	v3 =	vmul.f32 $8.000000000e+00, v3;
	v7 =	vld [tilespmem:s28+$0x1930]  }
0x30: {  	v4 =	vmul.f32 $8.000000000e+00, v4  }
0x31: {  	s29 =	sshra.s32 s26, $0x2;
	v3 =	vadd.f32 v1, v3;
	v2 =	vmul.f32 $8.000000000e+00, v2  }
.Ltmp2:
0x32: {  	v1 =	vld [tilespmem:s29+$0x1900];
	v4 =	vadd.f32 v0, v4;
	v5 =	vmul.f32 $8.000000000e+00, v5;
	(pc) =	sbr.rel @p0 .LBB2_3-.Ltmp2, $4  }
0x33: {  	v0 =	vld [tilespmem:s29+$0x1910];
	[tilespmem:s28+$0x4B00] =	vst v3;
	v2 =	vadd.f32 v6, v2  }
0x34: {  	v3 =	vld [tilespmem:s29+$0x4B00];
	[tilespmem:s28+$0x4B10] =	vst v4;
	v5 =	vadd.f32 v7, v5  }
0x35: {  	v4 =	vld [tilespmem:s29+$0x4B10];
	[tilespmem:s28+$0x4B20] =	vst v2  }
0x36: {  	s26 =	sadd.s32 $0x100, s26;
	v2 =	vld [tilespmem:s29+$0x4B20];
	[tilespmem:s28+$0x4B30] =	vst v5;
	s28 =	smov.u32 s29  }
0x37: {  	v5 =	vld [tilespmem:s28+$0x4B30]  }
0x38: {  	v6 =	vld [tilespmem:s28+$0x1920]  }
0x39: {  	v7 =	vld [tilespmem:s28+$0x1930];
	v3 =	vmul.f32 $8.000000000e+00, v3  }
0x3a: {  	v4 =	vmul.f32 $8.000000000e+00, v4  }
0x3b: {  	v1 =	vadd.f32 v1, v3;
	v2 =	vmul.f32 $8.000000000e+00, v2  }
0x3c: {  	s26 =	sshll.u32 s25, $0x2;
	v0 =	vadd.f32 v0, v4;
	v3 =	vmul.f32 $8.000000000e+00, v5  }
0x3d: {  	s29 =	sadd.s32 s3, s26;
	[tilespmem:s28+$0x4B00] =	vst v1;
	v1 =	vadd.f32 v6, v2  }
0x3e: {  	s29 =	smul.u32 $0x640, s29;
	[tilespmem:s28+$0x4B10] =	vst v0;
	v0 =	vadd.f32 v7, v3  }
0x3f: {  	[tilespmem:s28+$0x4B20] =	vst v1  }
0x40: {  	p0 =	seq.s32 s25, $0x0;
	[tilespmem:s28+$0x4B30] =	vst v0;
	s28 =	sadd.s32 s2, s29  }
0x41: {  	[hbm4b:s28+s4] =	stream.linear.scatter [tilespmem:s12], [sflag:$0x5], $0x3200, $0x38;
	[tilespmem:$0x11300] =	vst v63  }
0x42: {  	s29 =	simm.s32 @!p0 $0x7;
	s28 =	sor.u32 $0x2, s26  }
0x43: {  	_ =	swait.ge @!p0 [sflag:s29], $0x3200;
	s30 =	smul.u32 $0x320, s28  }
0x44: {  	[sflag:s29] =	ssyncset.done @!p0 $0x0  }
0x45: {  	[sflag:s29] =	ssyncadd.s32 @!p0 $0xFFFFCE00;
	s29 =	sshra.s32 s30, $0x2  }
0x46: {  	[tilespmem:s15], [sflag:$0x3] =	stream.indirect.gather [hbm4b:s5+s11], $0x40, s29, s11, $0xb8;
	[tilespmem:$0x11300] =	vst v63  }
0x47: {  	_ =	swait.ge [sflag:s16], $0x3200  }
0x48: {  	[sflag:s16] =	ssyncset.done $0x0  }
0x49: {  	s29 =	simm.s32 $0x0;
	[sflag:s16] =	ssyncadd.s32 $0xFFFFCE00  }
0x4a: {  	v1 =	vld [tilespmem:s29+$0x1900]  }
0x4b: {  	v0 =	vld [tilespmem:s29+$0x1910]  }
0x4c: {  	v3 =	vld [tilespmem:s29+$0x7D00]  }
0x4d: {  	v4 =	vld [tilespmem:s29+$0x7D10]  }
0x4e: {  	s30 =	simm.s32 $0x100;
	v2 =	vld [tilespmem:s29+$0x7D20]  }
.LBB2_5:
0x4f: {  	p1 =	sne.s32 s30, $0xC700;
	v5 =	vld [tilespmem:s29+$0x7D30]  }
0x50: {  	v6 =	vld [tilespmem:s29+$0x1920]  }
0x51: {  	v3 =	vmul.f32 $8.000000000e+00, v3;
	v7 =	vld [tilespmem:s29+$0x1930]  }
0x52: {  	v4 =	vmul.f32 $8.000000000e+00, v4  }
0x53: {  	s31 =	sshra.s32 s30, $0x2;
	v3 =	vadd.f32 v1, v3;
	v2 =	vmul.f32 $8.000000000e+00, v2  }
.Ltmp3:
0x54: {  	v1 =	vld [tilespmem:s31+$0x1900];
	v4 =	vadd.f32 v0, v4;
	v5 =	vmul.f32 $8.000000000e+00, v5;
	(pc) =	sbr.rel @p1 .LBB2_5-.Ltmp3, $4  }
0x55: {  	v0 =	vld [tilespmem:s31+$0x1910];
	[tilespmem:s29+$0x7D00] =	vst v3;
	v2 =	vadd.f32 v6, v2  }
0x56: {  	v3 =	vld [tilespmem:s31+$0x7D00];
	[tilespmem:s29+$0x7D10] =	vst v4;
	v5 =	vadd.f32 v7, v5  }
0x57: {  	v4 =	vld [tilespmem:s31+$0x7D10];
	[tilespmem:s29+$0x7D20] =	vst v2  }
0x58: {  	s30 =	sadd.s32 $0x100, s30;
	v2 =	vld [tilespmem:s31+$0x7D20];
	[tilespmem:s29+$0x7D30] =	vst v5;
	s29 =	smov.u32 s31  }
0x59: {  	v5 =	vld [tilespmem:s29+$0x7D30]  }
0x5a: {  	v6 =	vld [tilespmem:s29+$0x1920]  }
0x5b: {  	v7 =	vld [tilespmem:s29+$0x1930];
	v3 =	vmul.f32 $8.000000000e+00, v3  }
0x5c: {  	v4 =	vmul.f32 $8.000000000e+00, v4  }
0x5d: {  	v1 =	vadd.f32 v1, v3;
	v2 =	vmul.f32 $8.000000000e+00, v2  }
0x5e: {  	s30 =	sadd.s32 s26, s3;
	v0 =	vadd.f32 v0, v4;
	v3 =	vmul.f32 $8.000000000e+00, v5  }
0x5f: {  	s30 =	smul.u32 $0x640, s30;
	[tilespmem:s29+$0x7D00] =	vst v1;
	v1 =	vadd.f32 v6, v2  }
0x60: {  	[tilespmem:s29+$0x7D10] =	vst v0;
	v0 =	vadd.f32 v7, v3  }
0x61: {  	s30 =	sadd.s32 s2, s30;
	[tilespmem:s29+$0x7D20] =	vst v1  }
0x62: {  	[tilespmem:s29+$0x7D30] =	vst v0;
	s29 =	sadd.s32 $0x640, s30  }
0x63: {  	[hbm4b:s29+s4] =	stream.linear.scatter [tilespmem:s13], [sflag:$0x6], $0x3200, $0x38;
	[tilespmem:$0x11300] =	vst v63  }
0x64: {  	s26 =	sor.u32 $0x3, s26;
	s29 =	simm.s32 @!p0 $0x8  }
0x65: {  	s30 =	smul.u32 $0x320, s26;
	_ =	swait.ge @!p0 [sflag:s29], $0x3200  }
0x66: {  	[sflag:s29] =	ssyncset.done @!p0 $0x0  }
0x67: {  	[sflag:s29] =	ssyncadd.s32 @!p0 $0xFFFFCE00;
	s29 =	sshra.s32 s30, $0x2  }
0x68: {  	[tilespmem:s17], [sflag:$0x4] =	stream.indirect.gather [hbm4b:s5+s11], $0x40, s29, s11, $0xb8;
	[tilespmem:$0x11300] =	vst v63  }
0x69: {  	_ =	swait.ge [sflag:s18], $0x3200  }
0x6a: {  	[sflag:s18] =	ssyncset.done $0x0  }
0x6b: {  	s29 =	simm.s32 $0x0;
	[sflag:s18] =	ssyncadd.s32 $0xFFFFCE00  }
0x6c: {  	v1 =	vld [tilespmem:s29+$0x1900]  }
0x6d: {  	v0 =	vld [tilespmem:s29+$0x1910]  }
0x6e: {  	v3 =	vld [tilespmem:s29+$0xAF00]  }
0x6f: {  	v4 =	vld [tilespmem:s29+$0xAF10]  }
0x70: {  	s30 =	simm.s32 $0x100;
	v2 =	vld [tilespmem:s29+$0xAF20]  }
.LBB2_7:
0x71: {  	p0 =	sne.s32 s30, $0xC700;
	v5 =	vld [tilespmem:s29+$0xAF30]  }
0x72: {  	v6 =	vld [tilespmem:s29+$0x1920]  }
0x73: {  	v3 =	vmul.f32 $8.000000000e+00, v3;
	v7 =	vld [tilespmem:s29+$0x1930]  }
0x74: {  	v4 =	vmul.f32 $8.000000000e+00, v4  }
0x75: {  	s31 =	sshra.s32 s30, $0x2;
	v3 =	vadd.f32 v1, v3;
	v2 =	vmul.f32 $8.000000000e+00, v2  }
.Ltmp4:
0x76: {  	v1 =	vld [tilespmem:s31+$0x1900];
	v4 =	vadd.f32 v0, v4;
	v5 =	vmul.f32 $8.000000000e+00, v5;
	(pc) =	sbr.rel @p0 .LBB2_7-.Ltmp4, $4  }
0x77: {  	v0 =	vld [tilespmem:s31+$0x1910];
	[tilespmem:s29+$0xAF00] =	vst v3;
	v2 =	vadd.f32 v6, v2  }
0x78: {  	v3 =	vld [tilespmem:s31+$0xAF00];
	[tilespmem:s29+$0xAF10] =	vst v4;
	v5 =	vadd.f32 v7, v5  }
0x79: {  	v4 =	vld [tilespmem:s31+$0xAF10];
	[tilespmem:s29+$0xAF20] =	vst v2  }
0x7a: {  	s30 =	sadd.s32 $0x100, s30;
	v2 =	vld [tilespmem:s31+$0xAF20];
	[tilespmem:s29+$0xAF30] =	vst v5;
	s29 =	smov.u32 s31  }
0x7b: {  	v5 =	vld [tilespmem:s29+$0xAF30]  }
0x7c: {  	v6 =	vld [tilespmem:s29+$0x1920]  }
0x7d: {  	v7 =	vld [tilespmem:s29+$0x1930];
	v3 =	vmul.f32 $8.000000000e+00, v3  }
0x7e: {  	v4 =	vmul.f32 $8.000000000e+00, v4  }
0x7f: {  	v1 =	vadd.f32 v1, v3;
	v2 =	vmul.f32 $8.000000000e+00, v2  }
0x80: {  	v0 =	vadd.f32 v0, v4;
	v3 =	vmul.f32 $8.000000000e+00, v5  }
0x81: {  	s28 =	sadd.s32 s3, s28;
	[tilespmem:s29+$0xAF00] =	vst v1;
	v1 =	vadd.f32 v6, v2  }
0x82: {  	s28 =	smul.u32 $0x640, s28;
	[tilespmem:s29+$0xAF10] =	vst v0;
	v0 =	vadd.f32 v7, v3  }
0x83: {  	[tilespmem:s29+$0xAF20] =	vst v1  }
0x84: {  	p0 =	seq.s32 s25, $0x7;
	s28 =	sadd.s32 s2, s28;
	[tilespmem:s29+$0xAF30] =	vst v0  }
0x85: {  	[hbm4b:s28+s4] =	stream.linear.scatter [tilespmem:s15], [sflag:$0x7], $0x3200, $0x38;
	[tilespmem:$0x11300] =	vst v63  }
0x86: {  	s28 =	simm.s32 @!p0 $0x5  }
0x87: {  	s29 =	smul.u32 @!p0 $0xC80, s25;
	_ =	swait.ge @!p0 [sflag:s28], $0x3200  }
0x88: {  	[sflag:s28] =	ssyncset.done @!p0 $0x0  }
0x89: {  	[sflag:s28] =	ssyncadd.s32 @!p0 $0xFFFFCE00;
	s28 =	sshra.s32 @!p0 s29, $0x2  }
0x8a: {  	s30 =	simm.s32 @!p0 $0x4B00;
	s29 =	simm.s32 @!p0 $0xC8;
	s28 =	sadd.s32 @!p0 $0x320, s28  }
0x8b: {  	[tilespmem:s30], [sflag:$0x1] =	stream.indirect.gather @!p0 [hbm4b:s5+s29], $0x40, s28, s29, $0xb8;
	[tilespmem:$0x11300] =	vst v63  }
0x8c: {  	_ =	swait.ge [sflag:s19], $0x3200  }
0x8d: {  	[sflag:s19] =	ssyncset.done $0x0  }
0x8e: {  	s28 =	simm.s32 $0x0;
	[sflag:s19] =	ssyncadd.s32 $0xFFFFCE00  }
0x8f: {  	v1 =	vld [tilespmem:s28+$0x1900]  }
0x90: {  	v0 =	vld [tilespmem:s28+$0x1910]  }
0x91: {  	v3 =	vld [tilespmem:s28+$0xE100]  }
0x92: {  	v4 =	vld [tilespmem:s28+$0xE110]  }
0x93: {  	s29 =	simm.s32 $0x100;
	v2 =	vld [tilespmem:s28+$0xE120]  }
.LBB2_9:
0x94: {  	p1 =	sne.s32 s29, $0xC700;
	v5 =	vld [tilespmem:s28+$0xE130]  }
0x95: {  	v6 =	vld [tilespmem:s28+$0x1920]  }
0x96: {  	v3 =	vmul.f32 $8.000000000e+00, v3;
	v7 =	vld [tilespmem:s28+$0x1930]  }
0x97: {  	v4 =	vmul.f32 $8.000000000e+00, v4  }
0x98: {  	s30 =	sshra.s32 s29, $0x2;
	v3 =	vadd.f32 v1, v3;
	v2 =	vmul.f32 $8.000000000e+00, v2  }
.Ltmp5:
0x99: {  	v1 =	vld [tilespmem:s30+$0x1900];
	v4 =	vadd.f32 v0, v4;
	v5 =	vmul.f32 $8.000000000e+00, v5;
	(pc) =	sbr.rel @p1 .LBB2_9-.Ltmp5, $4  }
0x9a: {  	v0 =	vld [tilespmem:s30+$0x1910];
	[tilespmem:s28+$0xE100] =	vst v3;
	v2 =	vadd.f32 v6, v2  }
0x9b: {  	v3 =	vld [tilespmem:s30+$0xE100];
	[tilespmem:s28+$0xE110] =	vst v4;
	v5 =	vadd.f32 v7, v5  }
0x9c: {  	v4 =	vld [tilespmem:s30+$0xE110];
	[tilespmem:s28+$0xE120] =	vst v2  }
0x9d: {  	s29 =	sadd.s32 $0x100, s29;
	v2 =	vld [tilespmem:s30+$0xE120];
	[tilespmem:s28+$0xE130] =	vst v5;
	s28 =	smov.u32 s30  }
0x9e: {  	v5 =	vld [tilespmem:s28+$0xE130]  }
0x9f: {  	v6 =	vld [tilespmem:s28+$0x1920]  }
0xa0: {  	v7 =	vld [tilespmem:s28+$0x1930];
	v3 =	vmul.f32 $8.000000000e+00, v3  }
0xa1: {  	v4 =	vmul.f32 $8.000000000e+00, v4  }
0xa2: {  	v1 =	vadd.f32 v1, v3;
	v2 =	vmul.f32 $8.000000000e+00, v2  }
0xa3: {  	v0 =	vadd.f32 v0, v4;
	v61 =	vmul.f32 $8.000000000e+00, v5  }
.Ltmp6:
0xa4: {  	s26 =	sadd.s32 s3, s26;
	[tilespmem:s28+$0xE100] =	vst v1;
	v62 =	vadd.f32 v6, v2;
	(pc) =	sbr.rel @p0 .LBB2_12-.Ltmp6, $4  }
0xa5: {  	s26 =	smul.u32 $0x640, s26;
	[tilespmem:s28+$0xE110] =	vst v0;
	v63 =	vadd.f32 v7, v61  }
0xa6: {  	[tilespmem:s28+$0xE120] =	vst v62  }
0xa7: {  	s26 =	sadd.s32 s2, s26;
	[tilespmem:s28+$0xE130] =	vst v63  }
0xa8: {  	[hbm4b:s26+s4] =	stream.linear.scatter [tilespmem:s17], [sflag:$0x8], $0x3200, $0x38;
	[tilespmem:$0x11300] =	vst v63  }
0xa9: {  	s26 =	smul.u32 $0xC80, s25  }
.Ltmp7:
0xaa: {  	_ = 	snop;
	(pc) =	sbr.rel .LBB2_2-.Ltmp7, $4  }
0xab: {  	_ =	swait.ge [sflag:s21], $0x3200  }
0xac: {  	[sflag:s21] =	ssyncset.done $0x0;
	s26 =	sshra.s32 s26, $0x2  }
0xad: {  	s25 =	sadd.s32 $0x1, s25;
	[sflag:s21] =	ssyncadd.s32 $0xFFFFCE00;
	s26 =	sadd.s32 $0x3E8, s26  }
0xae: {  	[tilespmem:s13], [sflag:$0x2] =	stream.indirect.gather [hbm4b:s5+s11], $0x40, s26, s11, $0xb8;
	[tilespmem:$0x11300] =	vst v63  }
.LBB2_13:
0xaf: {  	_ =	sfence.sel $0x180000  }
0xb0: {  	[bflag:$0x0] =	sbarrier.arrive $0xFFFF  }
0xb1: {  	p0 =	sne.s32 s0, $0x0;
	_ =	strace $0x90000047  }
0xb2: {  	s0 =	sadd.s32 @!p0 $0x100000, s1;
	[bflag:$0x2] =	sbarrier.arrive $0xFFFF  }
0xb3: {  	[sflag:s0] =	ssyncadd.tile.s32 @!p0 $0x1;
	_ =	shalt  }
.Lfunc_end2:
_tile_overlayer_lowered:
.L_overlay_start_2:
0xb4: {  	(tag) =	ssettag $0x2  }
0xb5: {  	s0 =	rddreg [dreg:$0x0];
	s2 =	stileid.u32  }
0xb6: {  	s1 =	rddreg [dreg:$0x1];
	p0 =	sne.s32 s2, $0x0  }
0xb7: {  	s3 =	rddreg [dreg:$0x2];
	[bflag:$0x3] =	sbarrier.arrive $0xFFFF;
	s2 =	simm.s32 @!p0 $0x1C09  }
0xb8: {  	[timem:s3], [sflag:s2] =	dma.local @!p0 [hbm:s0], s1  }
0xb9: {  	s0 =	simm.s32 @!p0 $0x9  }
0xba: {  	_ =	swait.ge @!p0 [sflag:s0], s1  }
0xbb: {  	s1 =	ssub.s32 @!p0 $0x0, s1;
	[sflag:s0] =	ssyncset.done @!p0 $0x0  }
0xbc: {  	[sflag:s0] =	ssyncadd.s32 @!p0 s1  }
0xbd: {  	[bflag:$0x3] =	sbarrier.arrive $0xFFFF  }
0xbe: {  	_ =	shalt  }

// kernel: sparse-core-data-format-call.cloned.1.call-start
scs
called_computation_lowered:
.L_overlay_start_0:
0x0: {  	s2 =	sld [smem:$0x3FD9]  }
0x1: {  	s3 =	sld [smem:$0x3FFE];
	_ =	sdelay $0x1  }
0x2: {  	s1 =	srdreg.scid  }
0x3: {  	s0 =	sand.u32 $0x1, s1  }
0x4: {  	s18 =	sshll.u32 s0, $0xA;
	s2 =	sadd.s32 s3, s2  }
0x5: {  	s2 =	sadd.s32 s2, s18  }
0x6: {  	[smem:$0x3FC5] =	sst s2  }
0x7: {  	_ = 	snop  }
0x8: {  	s2 =	sld [smem:$0x3FD0];
	(tm) =	ssettm $0x1  }
0x9: {  	s19 =	sld [smem:$0x3FFB];
	_ =	sdelay $0x3  }
0xa: {  	_ =	strace s19  }
0xb: {  	s3 =	sld [smem:$0x3FFC];
	_ =	sdelay $0x3  }
0xc: {  	_ =	strace s3  }
0xd: {  	s3 =	sld [smem:$0x3FFD];
	_ =	sdelay $0x3  }
0xe: {  	_ =	strace s3  }
0xf: {  	_ =	strace $0x8FFFFFFF  }
0x10: {  	s20 =	sld [smem:$0x3FDB];
	_ =	sdelay $0x1  }
0x11: {  	s4 =	simm.s32 $_scs_section_size  }
0x12: {  	s5 =	simm.s32 $_size__tile_overlayer_lowered;
	s6 =	simm.s32 $_tile_overlayer_lowered  }
0x13: {  	s23 =	simm.s32 $0x1BFF;
	s22 =	sshll.u32 s6, $0x1;
	s3 =	sadd.s32 s4, s20  }
0x14: {  	s7 =	simm.s32 $0x0;
	s21 =	sshll.u32 s5, $0x1;
	s5 =	sadd.s32 s22, s3  }
0x15: {  	[timem:s7], [sflag:s23] =	dma.local [hbm:s5], s21  }
0x16: {  	_ =	swait.ge [sflag:s23], s21  }
0x17: {  	s4 =	ssub.s32 $0x0, s21;
	[sflag:s23] =	ssyncset.done $0x0  }
0x18: {  	[sflag:s23] =	ssyncadd.s32 s4;
	_ =	sdelay $0x1  }
0x19: {  	s24 =	simm.s32 $0x1B8B  }
0x1a: {  	_ =	swait.ge [sflag:s24], $0x1  }
0x1b: {  	[sflag:s24] =	ssyncset.done $0x0  }
0x1c: {  	s26 =	simm.s32 $0x1B8E;
	s25 =	sld [smem:$0x3FFE];
	[sflag:s24] =	ssyncadd.s32 $0xFFFFFFFF  }
0x1d: {  	s27 =	simm.s32 $execute0_lowered;
	[smem:$0x3FD2] =	sst s26  }
0x1e: {  	s5 =	sshll.u32 s27, $0x1;
	_ =	strace $0x80000049;
	[dreg:$0x1] =	wrdreg $0xFFFFFFFF  }
0x1f: {  	s28 =	simm.s32 $_size_execute0_lowered;
	s3 =	sadd.s32 s3, s5;
	[dreg:$0x0] =	wrdreg $0x0  }
0x20: {  	s5 =	sshll.u32 s28, $0x1;
	[dreg:$0x2] =	wrdreg s3  }
0x21: {  	[dreg:$0x3] =	wrdreg s5  }
0x22: {  	[dreg:$0x4] =	wrdreg $0xC0  }
0x23: {  	_ =	task [dreg:s7], $0x5FFFF  }
0x24: {  	[dreg:$0x1] =	wrdreg $0xFFFFFFFF  }
0x25: {  	[dreg:$0x0] =	wrdreg $0x60  }
0x26: {  	[dreg:$0x2] =	wrdreg s25  }
0x27: {  	[dreg:$0x3] =	wrdreg s2  }
0x28: {  	[dreg:$0x4] =	wrdreg $0x9  }
0x29: {  	_ =	task.clear_ibuf [dreg:s7], $0x5FFFF;
	_ =	strace $0x90000049  }
0x2a: {  	s29 =	simm.s32 $0x9;
	_ =	strace $0x8000004B  }
0x2b: {  	_ =	swait.ge [sflag:s29], $0x1  }
0x2c: {  	[sflag:s29] =	ssyncadd.s32 $0xFFFFFFFF  }
0x2d: {  	_ =	strace $0x9000004B  }
0x2e: {  	_ =	sfence  }
0x2f: {  	s30 =	sld [smem:$0x0];
	_ =	sdelay $0x2  }
0x30: {  	s31 =	sshll.u32 s1, $0xD;
	s1 =	sshrl.u32 s1, $0x2  }
0x31: {  	s3 =	sand.u32 $0x4000, s31;
	s1 =	sadd.s32 s1, s30  }
0x32: {  	s0 =	sor.u32 s3, s0;
	s1 =	sshll.u32 s1, $0x11  }
0x33: {  	s0 =	sor.u32 s1, s0  }
0x34: {  	s0 =	sadd.s32 $0x8F2B, s0  }
0x35: {  	[sflag:s0] =	ssyncadd.remote.s32 $0x1  }
0x36: {  	_ =	sfence.sel $0xFFFF  }
0x37: {  	[dreg:$0x0] =	wrdreg $0xFFFFFFFF;
	(pc) =	sbr.abs _section_cstart, $3  }
0x38: {  	[dreg:$0x1] =	wrdreg $0xFFFFFFFF  }
0x39: {  	_ =	task.clear_ibuf [dreg:s7], $0x2FFFF;
	_ =	strace $0x9FFFFFFF  }
0x3a: {  	(tm) =	ssettm $0x7FFFFFFF  }
0x3b: {  	_ =	shalt  }
tec
execute0_lowered:
.L_overlay_start_1:
0x0: {  	(tag) =	ssettag $0x1  }
0x1: {  	s0 =	stileid.u32;
	s6 =	rddreg [dreg:$0x0]  }
0x2: {  	s2 =	rddreg [dreg:$0x1];
	s5 =	srdreg.scid  }
0x3: {  	s31 =	simm.s32 $0x2;
	s13 =	simm.s32 $0x0;
	s1 =	sshll.u32 s0, $0x7  }
0x4: {  	s14 =	simm.s32 $0x0;
	s12 =	simm.s32 $0x0;
	s3 =	sand.u32 $0x380, s1  }
0x5: {  	s5 =	sshll.u32 s5, $0x4;
	s6 =	sadd.s32 $0xC00, s6;
	s4 =	ssub.s32 $0x400, s3  }
0x6: {  	s1 =	rddreg [dreg:$0x2];
	_ =	strace $0x8000004A;
	s7 =	sand.u32 $0x380, s4  }
0x7: {  	s5 =	sand.u32 $0x10, s5;
	p0 =	sne.s32 s7, $0x0;
	s7 =	simm.s32 $0x1  }
.Ltmp0:
0x8: {  	s8 =	sshrl.u32 s4, $0xA;
	s7 =	simm.s32 @!p0 $0x0;
	(pc) =	sbr.rel .LBB1_1-.Ltmp0, $4  }
0x9: {  	s9 =	sor.u32 s0, s5;
	s4 =	simm.s32 $0x1;
	s30 =	sadd.s32 s7, s8  }
0xa: {  	s11 =	smov.u32 s3;
	[sflag:s4] =	ssyncpa.u1 $0x0;
	s5 =	smul.u32 $0x32, s30  }
0xb: {  	[sflag:s31] =	ssyncpa.u1 $0x0;
	p0 =	por $0x0, $0x0;
	s7 =	sshrl.u32 s9, $0x3  }
0xc: {  	s9 =	simm.s32 $0x2000;
	s10 =	smov.u32 s7;
	s8 =	sor.u32 $0x1, s5  }
.LBB1_4:
0xd: {  	s17 =	sand.u32 $0x1F80, s14;
	s13 =	sshll.u32 s13, $0xD  }
0xe: {  	[tilespmem:s16+$0x810 ss:$0x81] =	vst.msk $0xffff, v2;
	s18 =	sshrl.u32 s14, $0x3;
	s31 =	sand.u32 $0x7, s14;
	s17 =	sadd.s32 s2, s17  }
0xf: {  	[tilespmem:s16+$0x1020 ss:$0x81] =	vst.msk $0xffff, v0;
	s18 =	sand.u32 $0xF, s18;
	s14 =	sshll.u32 s31, $0x12;
	s13 =	sadd.s32 s13, s17  }
0x10: {  	[tilespmem:s16+$0x0 ss:$0x81] =	vst.msk $0xffff, v1;
	s14 =	sor.u32 $0x400, s14;
	s13 =	sadd.s32 s18, s13  }
0x11: {  	[hbm4b:s13+s14] =	stream.strided.scatter [tilespmem:s15], [sflag:$0x2], $0x2000, s9, s14, $0x20;
	[tilespmem:$0x8080] =	vst v63  }
.LBB1_5:
0x12: {  	s15 =	sadd.s32 $0x4, s10  }
0x13: {  	s13 =	sadd.s32 $0x400, s11;
	s17 =	smov.u32 s11;
	p2 =	sgt.s32 s15, $0xC7  }
0x14: {  	s17 =	smov.u32 @p2 s13  }
0x15: {  	s15 =	smov.u32 @p2 s7;
	p2 =	sgt.s32 s17, $0x3FF  }
0x16: {  	s17 =	smov.u32 @p2 s3;
	p2 =	sne.s32 s12, s8  }
.Ltmp1:
0x17: {  	p1 =	slt.u32 s12, $0x2;
	(pc) =	sbr.rel @!p2 .LBB1_6-.Ltmp1, $4  }
0x18: {  	s16 =	simm.s32 @!p1 $0x2  }
0x19: {  	s14 =	smov.u32 s11;
	p0 =	por !p0, !p0;
	_ =	swait.ge @!p1 [sflag:s16], $0x2000  }
0x1a: {  	s13 =	smov.u32 s10;
	[sflag:s16] =	ssyncset.done @!p1 $0x0;
	s10 =	smov.u32 s15  }
0x1b: {  	s12 =	sadd.s32 $0x1, s12;
	[sflag:s16] =	ssyncadd.s32 @!p1 $0xFFFFE000;
	s11 =	smov.u32 s17  }
.LBB1_1:
0x1c: {  	p1 =	sge.u32 s12, s5  }
0x1d: {  	s15 =	sand.u32 @!p1 $0x1FFFFFF, s10  }
0x1e: {  	s16 =	smulhi.u32 @!p1 $0x147AE15, s15;
	_ =	sdelay $0x1  }
0x1f: {  	s16 =	smul.u32 @!p1 $0xC8, s16  }
0x20: {  	s17 =	sxor.u32 @!p1 $0xFFFFFFFF, s12;
	s18 =	smul.u32 @!p1 $0xC80, s11  }
0x21: {  	s31 =	sadd.s32 $0xFFFFFFFF, s12;
	s17 =	sshll.u32 @!p1 s17, $0xD;
	s15 =	ssub.s32 @!p1 s15, s16  }
0x22: {  	s16 =	sand.u32 @!p1 $0x2000, s17;
	s17 =	sadd.s32 @!p1 s6, s18;
	s15 =	sshll.u32 @!p1 s15, $0x4  }
0x23: {  	s18 =	simm.s32 @!p1 $0x6400;
	s15 =	sadd.s32 @!p1 s15, s17;
	s17 =	simm.s32 @!p1 $0x40  }
0x24: {  	[tilespmem:s16], [sflag:$0x1] =	stream.strided.gather @!p1 [hbm4b:s15+s17], $0x2000, s18, s17, $0x38;
	[tilespmem:$0x8080] =	vst v63  }
0x25: {  	p1 =	sge.u32 s31, s5  }
.Ltmp2:
0x26: {  	_ = 	snop;
	(pc) =	sbr.rel @p1 .LBB1_5-.Ltmp2, $1  }
0x27: {  	_ =	sdelay $0x3  }
0x28: {  	s15 =	simm.s32 $0x1  }
0x29: {  	_ =	swait.ge [sflag:s4], $0x2000;
	s15 =	simm.s32 @!p0 $0x0  }
0x2a: {  	[sflag:s4] =	ssyncset.done $0x0;
	s16 =	sshll.u32 s15, $0xD  }
0x2b: {  	[sflag:s4] =	ssyncadd.s32 $0xFFFFE000;
	s19 =	sor.u32 $0x20, s16  }
0x2c: {  	s15 =	smul.u32 $0x8100, s15;
	v3 =	vld [tilespmem:s19+$0x10]  }
0x2d: {  	s30 =	sand.u32 $0x1, s12;
	v2 =	vld [tilespmem:s19+$0xFFFFFFF0]  }
0x2e: {  	s16 =	smul.u32 $0x8100, s30;
	s15 =	sshrl.u32 s15, $0x2;
	v0 =	vld [tilespmem:s19+$0x0]  }
0x2f: {  	v1 =	vld [tilespmem:s19+$0xFFFFFFE0];
	s17 =	sor.u32 $0x4000, s15  }
0x30: {  	s31 =	sshrl.u32 s16, $0x2;
	s16 =	sadd.s32 $0x0, s17  }
0x31: {  	s18 =	simm.s32 $0x4;
	s19 =	sadd.s32 $0x40, s19;
	s15 =	sor.u32 $0x4000, s31;
	[tilespmem:s16+$0x1830 ss:$0x81] =	vst.msk $0xffff, v3  }
.LBB1_3:
0x32: {  	v3 =	vld [tilespmem:s19+$0x10];
	p1 =	sne.s32 s18, $0x1FC;
	[tilespmem:s16+$0x810 ss:$0x81] =	vst.msk $0xffff, v2;
	s20 =	smov.u32 s18;
	s18 =	sadd.s32 $0x4, s18  }
.Ltmp3:
0x33: {  	v2 =	vld [tilespmem:s19+$0xFFFFFFF0];
	[tilespmem:s16+$0x1020 ss:$0x81] =	vst.msk $0xffff, v0;
	(pc) =	sbr.rel @p1 .LBB1_3-.Ltmp3, $4  }
0x34: {  	v0 =	vld [tilespmem:s19+$0x0];
	[tilespmem:s16+$0x0 ss:$0x81] =	vst.msk $0xffff, v1  }
0x35: {  	s16 =	sshra.s32 s20, $0x2;
	v1 =	vld [tilespmem:s19+$0xFFFFFFE0]  }
0x36: {  	s16 =	sadd.s32 s16, s17  }
0x37: {  	s19 =	sadd.s32 $0x40, s19;
	[tilespmem:s16+$0x1830 ss:$0x81] =	vst.msk $0xffff, v3  }
.Ltmp4:
0x38: {  	_ = 	snop;
	(pc) =	sbr.rel .LBB1_4-.Ltmp4, $1  }
0x39: {  	_ =	sdelay $0x3  }
.LBB1_6:
0x3a: {  	_ =	sfence.sel $0x180000  }
0x3b: {  	s2 =	simm.s32 $0x1;
	[bflag:$0x0] =	sbarrier.arrive $0xFFFF  }
0x3c: {  	s31 =	simm.s32 $0x2;
	[sflag:s2] =	ssyncpa.u1 $0x1  }
0x3d: {  	[sflag:s31] =	ssyncpa.u1 $0x1  }
0x3e: {  	p0 =	sne.s32 s0, $0x0;
	_ =	strace $0x9000004A  }
0x3f: {  	s0 =	sadd.s32 @!p0 $0x100000, s1;
	[bflag:$0x2] =	sbarrier.arrive $0xFFFF  }
0x40: {  	[sflag:s0] =	ssyncadd.tile.s32 @!p0 $0x1;
	_ =	shalt  }
.Lfunc_end1:
_tile_overlayer_lowered:
.L_overlay_start_2:
0x41: {  	(tag) =	ssettag $0x2  }
0x42: {  	s0 =	rddreg [dreg:$0x0];
	s2 =	stileid.u32  }
0x43: {  	s1 =	rddreg [dreg:$0x1];
	p0 =	sne.s32 s2, $0x0  }
0x44: {  	s3 =	rddreg [dreg:$0x2];
	[bflag:$0x3] =	sbarrier.arrive $0xFFFF;
	s2 =	simm.s32 @!p0 $0x1C01  }
0x45: {  	[timem:s3], [sflag:s2] =	dma.local @!p0 [hbm:s0], s1  }
0x46: {  	s0 =	simm.s32 @!p0 $0x1  }
0x47: {  	_ =	swait.ge @!p0 [sflag:s0], s1  }
0x48: {  	s1 =	ssub.s32 @!p0 $0x0, s1;
	[sflag:s0] =	ssyncset.done @!p0 $0x0  }
0x49: {  	[sflag:s0] =	ssyncadd.s32 @!p0 s1  }
0x4a: {  	[bflag:$0x3] =	sbarrier.arrive $0xFFFF  }
0x4b: {  	_ =	shalt  }

</sc_bundles>
